<compile_context>
chip_gen: v7x
topology: tpu7x:2x2x1
jax: 0.10.2.dev20260603
libtpu: 0.0.44.dev20260713+nightly
codegen_flags: <defaults>
</compile_context>

<pallas_src>
import functools
import math

import jax
import jax.numpy as jnp
from jax import lax
from jax.experimental import pallas as pl
from jax.experimental.pallas import tpu as pltpu
from jax.experimental.pallas import tpu_sc as plsc

_D = 256
_H = 8
_DH = 32
_DHP = 128
_DFF = 1024
_K = 1000
_B = 4
_L = 20000
_N = _B * _L

_NC = 2
_NS = 16
_LANES = 16
_CH = _L // _LANES

_ROWS_PER_TILE = 160
_GATHER_TILES = _B * _K // _ROWS_PER_TILE

_FR = 3200


def _sc_mesh():
    return plsc.VectorSubcoreMesh(
        core_axis_name="c", subcore_axis_name="s",
        num_cores=_NC, num_subcores=_NS)


def _wid():
    return lax.axis_index("s") * _NC + lax.axis_index("c")



_KEY_NEG_INF = 0x007FFFFF
_KEY_POS_INF = 0xFF800000


def _key_to_f32(key):
    bits = jnp.where(key >= jnp.uint32(0x80000000),
                     key ^ jnp.uint32(0x80000000), ~key)
    return lax.bitcast_convert_type(bits, jnp.float32)


def _thresh_body(es_ref, ps_ref, o_ref):
    s = es_ref[...] + ps_ref[...]

    def bs_body(_, lohi):
        lo, hi = lohi
        mid = lo + ((hi - lo) // jnp.uint32(2)) + jnp.uint32(1)
        cnt = jnp.sum((s >= _key_to_f32(mid)).astype(jnp.int32),
                      axis=1, keepdims=True)
        pred = cnt >= jnp.int32(_K)
        return (jnp.where(pred, mid, lo),
                jnp.where(pred, hi, mid - jnp.uint32(1)))

    lo, _hi = lax.fori_loop(
        0, 32, bs_body,
        (jnp.full((_B, 1), _KEY_NEG_INF, jnp.uint32),
         jnp.full((_B, 1), _KEY_POS_INF, jnp.uint32)))
    o_ref[...] = jnp.broadcast_to(_key_to_f32(lo), (_B, 128))


def _thresh(tes, tps):
    out = pl.pallas_call(
        _thresh_body,
        grid=(1,),
        in_specs=[
            pl.BlockSpec((_B, _L), lambda i: (0, 0)),
            pl.BlockSpec((_B, _L), lambda i: (0, 0)),
        ],
        out_specs=pl.BlockSpec((_B, 128), lambda i: (0, 0)),
        out_shape=jax.ShapeDtypeStruct((_B, 128), jnp.float32),
    )(tes.reshape(_B, _L), tps.reshape(_B, _L))
    return jnp.pad(out[:, 0], (0, _LANES - _B))


def _topk_body(es_ref, ps_ref, t_ref, out_ref, es_v, ps_v, t_v, gt_v, eq_v):
    wid = _wid()

    @pl.when(wid < _B)
    def _():
        b = wid
        pltpu.sync_copy(es_ref.at[pl.ds(b * _L, _L)], es_v)
        pltpu.sync_copy(ps_ref.at[pl.ds(b * _L, _L)], ps_v)
        pltpu.sync_copy(t_ref, t_v)
        t_s = plsc.load_gather(t_v, [jnp.full((_LANES,), b, jnp.int32)])

        def body(i, offs):
            off_gt, off_eq = offs
            sl = pl.ds(i * _LANES, _LANES)
            sv = es_v[sl] + ps_v[sl]
            idxv = lax.iota(jnp.int32, _LANES) + i * _LANES + b * _L
            m_gt = sv > t_s
            cs_gt = plsc.cumsum(m_gt.astype(jnp.int32))
            plsc.store_scatter(gt_v, [off_gt + cs_gt - 1], idxv, mask=m_gt)
            m_eq = sv == t_s
            cs_eq = plsc.cumsum(m_eq.astype(jnp.int32))
            plsc.store_scatter(eq_v, [off_eq + cs_eq - 1], idxv, mask=m_eq)
            return off_gt + cs_gt[_LANES - 1], off_eq + cs_eq[_LANES - 1]
        c_gt, _c_eq = lax.fori_loop(
            0, _CH, body, (jnp.int32(0), jnp.int32(0)), unroll=4)

        r = jnp.int32(_K) - c_gt
        iota = lax.iota(jnp.int32, _LANES)

        def app_body(j, _):
            chunk = plsc.load_gather(eq_v, [iota + j * _LANES])
            plsc.store_scatter(gt_v, [iota + c_gt + j * _LANES], chunk)
            return 0
        lax.fori_loop(0, (r + _LANES - 1) // _LANES, app_body, 0)

        pltpu.sync_copy(gt_v.at[pl.ds(0, _K)], out_ref.at[pl.ds(b * _K, _K)])


def _topk(tes, tps, tpad):
    return pl.kernel(
        _topk_body,
        out_type=jax.ShapeDtypeStruct((_B * _K,), jnp.int32),
        mesh=_sc_mesh(),
        compiler_params=pltpu.CompilerParams(needs_layout_passes=False),
        scratch_types=[
            pltpu.VMEM((_L,), jnp.float32),
            pltpu.VMEM((_L,), jnp.float32),
            pltpu.VMEM((_LANES,), jnp.float32),
            pltpu.VMEM((_L + _LANES,), jnp.int32),
            pltpu.VMEM((_L,), jnp.int32),
        ],
    )(tes, tps, tpad)



def _gather_body(q_ref, idx_ref, out_ref, idx_v, rows_v, sem):
    wid = _wid()

    @pl.when(wid < _GATHER_TILES)
    def _():
        base = wid * _ROWS_PER_TILE
        pltpu.sync_copy(idx_ref.at[pl.ds(base, _ROWS_PER_TILE)], idx_v)
        pltpu.async_copy(q_ref.at[idx_v], rows_v, sem).wait()
        pltpu.sync_copy(rows_v, out_ref.at[pl.ds(base, _ROWS_PER_TILE)])


def _gather(queries, flat_idx):
    return pl.kernel(
        _gather_body,
        out_type=jax.ShapeDtypeStruct((_B * _K, _D), jnp.float32),
        mesh=_sc_mesh(),
        compiler_params=pltpu.CompilerParams(needs_layout_passes=False),
        scratch_types=[
            pltpu.VMEM((_ROWS_PER_TILE,), jnp.int32),
            pltpu.VMEM((_ROWS_PER_TILE, _D), jnp.float32),
            pltpu.SemaphoreType.DMA,
        ],
    )(queries, flat_idx)



def _scatter_body(idx_ref, upd_ref, dst_ref, idx_v, rows_v, sem):
    wid = _wid()

    @pl.when(wid < _GATHER_TILES)
    def _():
        base = wid * _ROWS_PER_TILE
        pltpu.sync_copy(idx_ref.at[pl.ds(base, _ROWS_PER_TILE)], idx_v)
        pltpu.sync_copy(upd_ref.at[pl.ds(base, _ROWS_PER_TILE)], rows_v)
        pltpu.async_copy(rows_v, dst_ref.at[idx_v], sem).wait()


def _scatter(flat_idx, upd, dst_ref):
    pl.kernel(
        _scatter_body,
        out_type=(),
        mesh=_sc_mesh(),
        compiler_params=pltpu.CompilerParams(needs_layout_passes=False),
        scratch_types=[
            pltpu.VMEM((_ROWS_PER_TILE,), jnp.int32),
            pltpu.VMEM((_ROWS_PER_TILE, _D), jnp.float32),
            pltpu.SemaphoreType.DMA,
        ],
    )(flat_idx, upd, dst_ref)



def _ln(x, g, b):
    m = jnp.mean(x, axis=-1, keepdims=True)
    xc = x - m
    v = jnp.mean(xc * xc, axis=-1, keepdims=True)
    return xc * lax.rsqrt(v + 1e-5) * g + b


_GC1 = -2.0 * 0.7978845608028654
_GC2 = _GC1 * 0.044715


def _gelu(x):
    one = jnp.asarray(1.0, x.dtype)
    c1 = jnp.asarray(_GC1, x.dtype)
    c2 = jnp.asarray(_GC2, x.dtype)
    return x / (one + jnp.exp(x * (c1 + c2 * (x * x))))


def _ffn_body(x_ref, one_ref, w1_ref, b1_ref, w2_ref, b2_ref, o_ref):
    del one_ref
    x = x_ref[...]
    m = jnp.mean(x, axis=-1, keepdims=True)
    xc = x - m
    v = jnp.mean(xc * xc, axis=-1, keepdims=True)
    yb = (xc * lax.rsqrt(v + 1e-5)).astype(jnp.bfloat16)
    h = jnp.dot(yb, w1_ref[...], preferred_element_type=jnp.float32)
    h = _gelu(h.astype(jnp.bfloat16) + b1_ref[...])
    o = jnp.dot(h, w2_ref[...], preferred_element_type=jnp.float32)
    o_ref[...] = x + o + b2_ref[...]


def _ffn_all(q, ones_b, w1g, b1f, w2b, b2r):
    return pl.pallas_call(
        _ffn_body,
        grid=(_N // _FR,),
        in_specs=[
            pl.BlockSpec((_FR, _D), lambda i: (i, 0)),
            pl.BlockSpec((_D, 128), lambda i: (0, 0)),
            pl.BlockSpec((_D, _DFF), lambda i: (0, 0)),
            pl.BlockSpec((1, _DFF), lambda i: (0, 0)),
            pl.BlockSpec((_DFF, _D), lambda i: (0, 0)),
            pl.BlockSpec((1, _D), lambda i: (0, 0)),
        ],
        out_specs=pl.BlockSpec((_FR, _D), lambda i: (i, 0)),
        out_shape=jax.ShapeDtypeStruct((_N, _D), jnp.float32),
    )(q, ones_b, w1g, b1f, w2b, b2r)


def _attn_body(x_ref, wq_ref, wk_ref, wv_ref, wo_ref, g1_ref, bt1_ref,
               w1_ref, b1_ref, w2_ref, b2_ref, g2_ref, bt2_ref, o_ref):
    x0 = x_ref[0]
    yb = _ln(x0, g1_ref[...], bt1_ref[...]).astype(jnp.bfloat16)
    q = jnp.dot(yb, wq_ref[...], preferred_element_type=jnp.float32)
    k = jnp.dot(yb, wk_ref[...], preferred_element_type=jnp.float32)
    v = jnp.dot(yb, wv_ref[...], preferred_element_type=jnp.float32)
    qb = q.astype(jnp.bfloat16)
    kb = k.astype(jnp.bfloat16)
    vb = v.astype(jnp.bfloat16)
    parts = []
    for h in range(_H):
        sl = slice(h * _DHP, (h + 1) * _DHP)
        s = lax.dot_general(qb[:, sl], kb[:, sl],
                            (((1,), (1,)), ((), ())),
                            preferred_element_type=jnp.float32
                            ).astype(jnp.bfloat16)
        s = s - jnp.max(s, axis=-1, keepdims=True)
        p = jnp.exp(s)
        r = 1.0 / jnp.sum(p, axis=-1, keepdims=True, dtype=jnp.float32)
        parts.append(jnp.dot(p, vb[:, sl],
                             preferred_element_type=jnp.float32) * r)
    o = jnp.concatenate(parts, axis=-1)
    sa = x0 + jnp.dot(o.astype(jnp.bfloat16), wo_ref[...],
                      preferred_element_type=jnp.float32)
    y2 = _ln(sa, g2_ref[...], bt2_ref[...])
    hh = jnp.dot(y2.astype(jnp.bfloat16), w1_ref[...],
                 preferred_element_type=jnp.float32)
    hh = _gelu(hh.astype(jnp.bfloat16) + b1_ref[...])
    upd = sa + jnp.dot(hh, w2_ref[...],
                       preferred_element_type=jnp.float32) + b2_ref[...]
    o_ref[0] = upd


def _attn(q_sa, wqp, wkp, wvp, wo_big, g1, bt1, w1b, b1r, w2b, b2r, g2, bt2):
    full = lambda shape: pl.BlockSpec(shape, lambda i: tuple(0 for _ in shape))
    return pl.pallas_call(
        _attn_body,
        grid=(_B,),
        in_specs=[
            pl.BlockSpec((1, _K, _D), lambda i: (i, 0, 0)),
            full((_D, _H * _DHP)),
            full((_D, _H * _DHP)),
            full((_D, _H * _DHP)),
            full((_H * _DHP, _D)),
            full((1, _D)),
            full((1, _D)),
            full((_D, _DFF)),
            full((1, _DFF)),
            full((_DFF, _D)),
            full((1, _D)),
            full((1, _D)),
            full((1, _D)),
        ],
        out_specs=pl.BlockSpec((1, _K, _D), lambda i: (i, 0, 0)),
        out_shape=jax.ShapeDtypeStruct((_B, _K, _D), jnp.float32),
    )(q_sa, wqp, wkp, wvp, wo_big, g1, bt1, w1b, b1r, w2b, b2r, g2, bt2)



def kernel(queries, query_batch_offsets, token_predicted_salience_score,
           token_electron_scores, Wqkv, Wo, ln1_g, ln1_b, W1, b1, W2, b2,
           ln2_g, ln2_b):
    del query_batch_offsets
    w1b = W1.astype(jnp.bfloat16)
    w2b = W2.astype(jnp.bfloat16)
    b1r = b1.reshape(1, _DFF).astype(jnp.bfloat16)
    b2r = b2.reshape(1, _D)
    g1 = ln1_g.reshape(1, _D)
    bt1 = ln1_b.reshape(1, _D)
    g2 = ln2_g.reshape(1, _D)
    bt2 = ln2_b.reshape(1, _D)

    def pad_qkv(w):
        return jnp.pad(w.reshape(_D, _H, _DH),
                       ((0, 0), (0, 0), (0, _DHP - _DH))
                       ).reshape(_D, _H * _DHP).astype(jnp.bfloat16)

    wqp = pad_qkv(Wqkv[:, :_D] * (1.0 / math.sqrt(_DH)))
    wkp = pad_qkv(Wqkv[:, _D:2 * _D])
    wvp = pad_qkv(Wqkv[:, 2 * _D:])
    wo_big = jnp.pad(Wo.reshape(_H, _DH, _D),
                     ((0, 0), (0, _DHP - _DH), (0, 0))
                     ).reshape(_H * _DHP, _D).astype(jnp.bfloat16)

    tpad = _thresh(token_electron_scores, token_predicted_salience_score)
    flat_idx = _topk(token_electron_scores, token_predicted_salience_score,
                     tpad)
    ones_b = jnp.ones((_D, 128), jnp.bfloat16)
    w1g = (ln2_g[:, None] * W1).astype(jnp.bfloat16)
    b1f = (ln2_b @ W1 + b1).reshape(1, _DFF).astype(jnp.bfloat16)
    out_full = _ffn_all(queries, ones_b, w1g, b1f, w2b, b2r)
    q_sa = _gather(queries, flat_idx)
    upd = _attn(q_sa.reshape(_B, _K, _D), wqp, wkp, wvp, wo_big,
                g1, bt1, w1b, b1r, w2b, b2r, g2, bt2)
    dst = jax.new_ref(out_full)
    _scatter(flat_idx, upd.reshape(_B * _K, _D), dst)
    return dst[...]

# --- scband reference (transcript-rebuilt; emitter-appended) ---
"""Pipeline reference for scband-emtransformer-encoder-29317446762570 (READ-ONLY COPY).

The authoritative reference and input builder live on the scoring server;
editing this copy changes nothing except your own understanding.
"""

import jax, jax.numpy as jnp
import numpy as np

D = 256
H = 8
DFF = 1024
MAX_TOKENS_SA = 1000
B = 4
L = 20000
N = B * L


def layer_norm(x, g, b):
    m = jnp.mean(x, axis=-1, keepdims=True)
    v = jnp.var(x, axis=-1, keepdims=True)
    return (x - m) / jnp.sqrt(v + 1e-5) * g + b


def setup_inputs(seed: int = 0) -> dict:
    key = jax.random.key(seed)
    ks = jax.random.split(key, 16)
    inp = {}
    inp['queries'] = jax.random.normal(ks[0], (N, D), jnp.float32)
    inp['query_batch_offsets'] = jnp.arange(B + 1, dtype=jnp.int32) * L
    inp['token_predicted_salience_score'] = jax.random.normal(ks[1], (N,), jnp.float32)
    inp['token_electron_scores'] = jax.random.normal(ks[2], (N,), jnp.float32)
    inp['Wqkv'] = jax.random.normal(ks[3], (D, 3 * D), jnp.float32) * 0.02
    inp['Wo'] = jax.random.normal(ks[4], (D, D), jnp.float32) * 0.02
    inp['ln1_g'] = jnp.ones((D,), jnp.float32)
    inp['ln1_b'] = jnp.zeros((D,), jnp.float32)
    inp['W1'] = jax.random.normal(ks[5], (D, DFF), jnp.float32) * 0.02
    inp['b1'] = jnp.zeros((DFF,), jnp.float32)
    inp['W2'] = jax.random.normal(ks[6], (DFF, D), jnp.float32) * 0.02
    inp['b2'] = jnp.zeros((D,), jnp.float32)
    inp['ln2_g'] = jnp.ones((D,), jnp.float32)
    inp['ln2_b'] = jnp.zeros((D,), jnp.float32)
    return inp


def reference(queries, query_batch_offsets, token_predicted_salience_score, token_electron_scores, Wqkv, Wo, ln1_g, ln1_b, W1, b1, W2, b2, ln2_g, ln2_b):
    # token scores = electron scores + predicted salience (as in torch forward)
    token_scores = token_electron_scores + token_predicted_salience_score
    nb = query_batch_offsets.shape[0] - 1
    seq_len = token_scores.shape[0] // nb
    k = min(MAX_TOKENS_SA, seq_len)
    # equal-length fast path: per-batch top-k over token scores
    scores2d = token_scores.reshape(nb, seq_len)
    _, topk_idx = jax.lax.top_k(scores2d, k)
    topk_idx = topk_idx + query_batch_offsets[:nb][:, None].astype(topk_idx.dtype)
    flat_idx = topk_idx.reshape(-1)
    # gather selected tokens for self-attention
    q_sa = jnp.take(queries, flat_idx, axis=0).reshape(nb, k, D)
    # pre-norm multi-head self-attention over selected tokens
    x = layer_norm(q_sa, ln1_g, ln1_b)
    qkv = x @ Wqkv
    q, kk, v = jnp.split(qkv, 3, axis=-1)
    dh = D // H
    q = q.reshape(nb, k, H, dh).transpose(0, 2, 1, 3)
    kk = kk.reshape(nb, k, H, dh).transpose(0, 2, 1, 3)
    v = v.reshape(nb, k, H, dh).transpose(0, 2, 1, 3)
    attn = jax.nn.softmax((q @ kk.transpose(0, 1, 3, 2)) / np.sqrt(dh), axis=-1)
    o = (attn @ v).transpose(0, 2, 1, 3).reshape(nb, k, D) @ Wo
    sa_out = q_sa + o
    # scatter (index_copy) updated tokens back into the full token set
    queries = queries.at[flat_idx].set(sa_out.reshape(nb * k, D))
    # pre-norm FFN over all tokens
    y = layer_norm(queries, ln2_g, ln2_b)
    y = jax.nn.gelu(y @ W1 + b1) @ W2 + b2
    queries = queries + y
    return queries

if __name__ == "__main__":
    import jax
    _d = setup_inputs()
    print(jax.jit(kernel)(*tuple(_d.values())))

</pallas_src>

<mosaic_0001>
#map = affine_map<(d0, d1) -> (0, 0)>
#map1 = affine_map<(d0, d1) -> (0)>
module attributes {stable_mosaic.version = 14 : i64} {
  func.func @_gather_body(%arg0: i32, %arg1: i32, %arg2: memref<80000x256xf32, #tpu.memory_space<hbm>>, %arg3: memref<4000xi32, #tpu.memory_space<hbm>>, %arg4: memref<4000x256xf32, #tpu.memory_space<hbm>>, %arg5: memref<160xi32, #tpu.memory_space<vmem>>, %arg6: memref<160x256xf32, #tpu.memory_space<vmem>>, %arg7: memref<!tpu.dma_semaphore, #tpu.memory_space<semaphore_mem>>) attributes {dimension_semantics = [#tpu.dimension_semantics<core_parallel>, #tpu.dimension_semantics<subcore_parallel>], iteration_bounds = array<i64: 2, 16>, scalar_prefetch = 0 : i64, scratch_operands = 3 : i64, tpu.core_type = #tpu.core_type<sc_vector_subcore>, window_params = [{transform_indices = #map}, {transform_indices = #map1}, {transform_indices = #map}]} {
    %mul3A = arith.constant 2 : i32
    %mul3A_0 = arith.muli %arg1, %mul3A : i32
    %add3A = arith.addi %mul3A_0, %arg0 : i32
    %lt3A = arith.constant 25 : i32
    %lt3A_1 = arith.cmpi slt, %add3A, %lt3A : i32
    %convert_element_type3A = arith.extui %lt3A_1 : i1 to i32
    %cond3A = arith.constant 0 : i32
    %cond3A_2 = arith.cmpi ne, %convert_element_type3A, %cond3A : i32
    scf.if %cond3A_2 {
      %mul3A_3 = arith.constant 160 : i32
      %mul3A_4 = arith.muli %add3A, %mul3A_3 : i32
      "tpu.region"() ({
        %run_scoped3A = tpu.sem_alloc : memref<!tpu.dma_semaphore, #tpu.memory_space<semaphore_mem>>
        %dma_start3A_9 = tpu.memref_slice %arg3[%mul3A_4] : memref<4000xi32, #tpu.memory_space<hbm>> -> memref<160xi32, #tpu.memory_space<hbm>>
        %dma_start3A_10 = tpu.memref_slice %arg3[%mul3A_4] : memref<4000xi32, #tpu.memory_space<hbm>> -> memref<160xi32, #tpu.memory_space<hbm>>
        tpu.enqueue_dma source(%dma_start3A_10 : memref<160xi32, #tpu.memory_space<hbm>>) target(%arg5 : memref<160xi32, #tpu.memory_space<vmem>>) target_semaphore(%run_scoped3A : memref<!tpu.dma_semaphore, #tpu.memory_space<semaphore_mem>>)
        %dma_wait3A_11 = tpu.memref_slice %arg3[%mul3A_4] : memref<4000xi32, #tpu.memory_space<hbm>> -> memref<160xi32, #tpu.memory_space<hbm>>
        %dma_wait3A_12 = tpu.memref_slice %arg3[%mul3A_4] : memref<4000xi32, #tpu.memory_space<hbm>> -> memref<160xi32, #tpu.memory_space<hbm>>
        tpu.wait_dma2 semaphore(%run_scoped3A : memref<!tpu.dma_semaphore, #tpu.memory_space<semaphore_mem>>) src(%dma_wait3A_12 : memref<160xi32, #tpu.memory_space<hbm>>) dst(%arg5 : memref<160xi32, #tpu.memory_space<vmem>>)
        tpu.yield
      }) : () -> ()
      %dma_start3A = arith.constant 0 : i32
      %dma_start3A_5 = arith.constant 0 : i32
      %dma_start3A_6 = tpu.memref_slice %arg2[%dma_start3A, %dma_start3A_5] : memref<80000x256xf32, #tpu.memory_space<hbm>> -> memref<80000x256xf32, #tpu.memory_space<hbm>>
      tpu.enqueue_indirect_dma source(%dma_start3A_6 : memref<80000x256xf32, #tpu.memory_space<hbm>>) target(%arg6 : memref<160x256xf32, #tpu.memory_space<vmem>>) offsets(%arg5 : memref<160xi32, #tpu.memory_space<vmem>>) semaphore(%arg7 : memref<!tpu.dma_semaphore, #tpu.memory_space<semaphore_mem>>)
      %dma_wait3A = arith.constant 0 : i32
      %dma_wait3A_7 = arith.constant 0 : i32
      %dma_wait3A_8 = tpu.memref_slice %arg2[%dma_wait3A, %dma_wait3A_7] : memref<80000x256xf32, #tpu.memory_space<hbm>> -> memref<80000x256xf32, #tpu.memory_space<hbm>>
      tpu.wait_indirect_dma semaphore(%arg7 : memref<!tpu.dma_semaphore, #tpu.memory_space<semaphore_mem>>) src(%dma_wait3A_8 : memref<80000x256xf32, #tpu.memory_space<hbm>>) dst(%arg6 : memref<160x256xf32, #tpu.memory_space<vmem>>)
      "tpu.region"() ({
        %run_scoped3A = tpu.sem_alloc : memref<!tpu.dma_semaphore, #tpu.memory_space<semaphore_mem>>
        %dma_start3A_9 = arith.constant 0 : i32
        %dma_start3A_10 = tpu.memref_slice %arg4[%mul3A_4, %dma_start3A_9] : memref<4000x256xf32, #tpu.memory_space<hbm>> -> memref<160x256xf32, #tpu.memory_space<hbm>>
        %dma_start3A_11 = arith.constant 0 : i32
        %dma_start3A_12 = tpu.memref_slice %arg4[%mul3A_4, %dma_start3A_11] : memref<4000x256xf32, #tpu.memory_space<hbm>> -> memref<160x256xf32, #tpu.memory_space<hbm>>
        tpu.enqueue_dma source(%arg6 : memref<160x256xf32, #tpu.memory_space<vmem>>) target(%dma_start3A_12 : memref<160x256xf32, #tpu.memory_space<hbm>>) target_semaphore(%run_scoped3A : memref<!tpu.dma_semaphore, #tpu.memory_space<semaphore_mem>>)
        %dma_wait3A_13 = arith.constant 0 : i32
        %dma_wait3A_14 = tpu.memref_slice %arg4[%mul3A_4, %dma_wait3A_13] : memref<4000x256xf32, #tpu.memory_space<hbm>> -> memref<160x256xf32, #tpu.memory_space<hbm>>
        %dma_wait3A_15 = arith.constant 0 : i32
        %dma_wait3A_16 = tpu.memref_slice %arg4[%mul3A_4, %dma_wait3A_15] : memref<4000x256xf32, #tpu.memory_space<hbm>> -> memref<160x256xf32, #tpu.memory_space<hbm>>
        tpu.wait_dma2 semaphore(%run_scoped3A : memref<!tpu.dma_semaphore, #tpu.memory_space<semaphore_mem>>) src(%arg6 : memref<160x256xf32, #tpu.memory_space<vmem>>) dst(%dma_wait3A_16 : memref<160x256xf32, #tpu.memory_space<hbm>>)
        tpu.yield
      }) : () -> ()
    } else {
    }
    return
  }
}

#map = affine_map<(d0, d1) -> (0)>
#map1 = affine_map<(d0, d1) -> (0, 0)>
module attributes {stable_mosaic.version = 14 : i64} {
  func.func @new_body(%arg0: i32, %arg1: i32, %arg2: memref<4000xi32, #tpu.memory_space<hbm>>, %arg3: memref<4000x256xf32, #tpu.memory_space<hbm>>, %arg4: memref<80000x256xf32, #tpu.memory_space<hbm>>, %arg5: memref<80000x256xf32, #tpu.memory_space<hbm>>, %arg6: memref<160xi32, #tpu.memory_space<vmem>>, %arg7: memref<160x256xf32, #tpu.memory_space<vmem>>, %arg8: memref<!tpu.dma_semaphore, #tpu.memory_space<semaphore_mem>>) attributes {dimension_semantics = [#tpu.dimension_semantics<core_parallel>, #tpu.dimension_semantics<subcore_parallel>], iteration_bounds = array<i64: 2, 16>, scalar_prefetch = 0 : i64, scratch_operands = 3 : i64, tpu.core_type = #tpu.core_type<sc_vector_subcore>, window_params = [{transform_indices = #map}, {transform_indices = #map1}, {transform_indices = #map1}, {transform_indices = #map1}]} {
    %mul3A = arith.constant 2 : i32
    %mul3A_0 = arith.muli %arg1, %mul3A : i32
    %add3A = arith.addi %mul3A_0, %arg0 : i32
    %lt3A = arith.constant 25 : i32
    %lt3A_1 = arith.cmpi slt, %add3A, %lt3A : i32
    %convert_element_type3A = arith.extui %lt3A_1 : i1 to i32
    %cond3A = arith.constant 0 : i32
    %cond3A_2 = arith.cmpi ne, %convert_element_type3A, %cond3A : i32
    scf.if %cond3A_2 {
      %mul3A_3 = arith.constant 160 : i32
      %mul3A_4 = arith.muli %add3A, %mul3A_3 : i32
      "tpu.region"() ({
        %run_scoped3A = tpu.sem_alloc : memref<!tpu.dma_semaphore, #tpu.memory_space<semaphore_mem>>
        %dma_start3A_9 = tpu.memref_slice %arg2[%mul3A_4] : memref<4000xi32, #tpu.memory_space<hbm>> -> memref<160xi32, #tpu.memory_space<hbm>>
        %dma_start3A_10 = tpu.memref_slice %arg2[%mul3A_4] : memref<4000xi32, #tpu.memory_space<hbm>> -> memref<160xi32, #tpu.memory_space<hbm>>
        tpu.enqueue_dma source(%dma_start3A_10 : memref<160xi32, #tpu.memory_space<hbm>>) target(%arg6 : memref<160xi32, #tpu.memory_space<vmem>>) target_semaphore(%run_scoped3A : memref<!tpu.dma_semaphore, #tpu.memory_space<semaphore_mem>>)
        %dma_wait3A_11 = tpu.memref_slice %arg2[%mul3A_4] : memref<4000xi32, #tpu.memory_space<hbm>> -> memref<160xi32, #tpu.memory_space<hbm>>
        %dma_wait3A_12 = tpu.memref_slice %arg2[%mul3A_4] : memref<4000xi32, #tpu.memory_space<hbm>> -> memref<160xi32, #tpu.memory_space<hbm>>
        tpu.wait_dma2 semaphore(%run_scoped3A : memref<!tpu.dma_semaphore, #tpu.memory_space<semaphore_mem>>) src(%dma_wait3A_12 : memref<160xi32, #tpu.memory_space<hbm>>) dst(%arg6 : memref<160xi32, #tpu.memory_space<vmem>>)
        tpu.yield
      }) : () -> ()
      "tpu.region"() ({
        %run_scoped3A = tpu.sem_alloc : memref<!tpu.dma_semaphore, #tpu.memory_space<semaphore_mem>>
        %dma_start3A_9 = arith.constant 0 : i32
        %dma_start3A_10 = tpu.memref_slice %arg3[%mul3A_4, %dma_start3A_9] : memref<4000x256xf32, #tpu.memory_space<hbm>> -> memref<160x256xf32, #tpu.memory_space<hbm>>
        %dma_start3A_11 = arith.constant 0 : i32
        %dma_start3A_12 = tpu.memref_slice %arg3[%mul3A_4, %dma_start3A_11] : memref<4000x256xf32, #tpu.memory_space<hbm>> -> memref<160x256xf32, #tpu.memory_space<hbm>>
        tpu.enqueue_dma source(%dma_start3A_12 : memref<160x256xf32, #tpu.memory_space<hbm>>) target(%arg7 : memref<160x256xf32, #tpu.memory_space<vmem>>) target_semaphore(%run_scoped3A : memref<!tpu.dma_semaphore, #tpu.memory_space<semaphore_mem>>)
        %dma_wait3A_13 = arith.constant 0 : i32
        %dma_wait3A_14 = tpu.memref_slice %arg3[%mul3A_4, %dma_wait3A_13] : memref<4000x256xf32, #tpu.memory_space<hbm>> -> memref<160x256xf32, #tpu.memory_space<hbm>>
        %dma_wait3A_15 = arith.constant 0 : i32
        %dma_wait3A_16 = tpu.memref_slice %arg3[%mul3A_4, %dma_wait3A_15] : memref<4000x256xf32, #tpu.memory_space<hbm>> -> memref<160x256xf32, #tpu.memory_space<hbm>>
        tpu.wait_dma2 semaphore(%run_scoped3A : memref<!tpu.dma_semaphore, #tpu.memory_space<semaphore_mem>>) src(%dma_wait3A_16 : memref<160x256xf32, #tpu.memory_space<hbm>>) dst(%arg7 : memref<160x256xf32, #tpu.memory_space<vmem>>)
        tpu.yield
      }) : () -> ()
      %dma_start3A = arith.constant 0 : i32
      %dma_start3A_5 = arith.constant 0 : i32
      %dma_start3A_6 = tpu.memref_slice %arg4[%dma_start3A, %dma_start3A_5] : memref<80000x256xf32, #tpu.memory_space<hbm>> -> memref<80000x256xf32, #tpu.memory_space<hbm>>
      tpu.enqueue_indirect_dma source(%arg7 : memref<160x256xf32, #tpu.memory_space<vmem>>) target(%dma_start3A_6 : memref<80000x256xf32, #tpu.memory_space<hbm>>) offsets(%arg6 : memref<160xi32, #tpu.memory_space<vmem>>) semaphore(%arg8 : memref<!tpu.dma_semaphore, #tpu.memory_space<semaphore_mem>>)
      %dma_wait3A = arith.constant 0 : i32
      %dma_wait3A_7 = arith.constant 0 : i32
      %dma_wait3A_8 = tpu.memref_slice %arg4[%dma_wait3A, %dma_wait3A_7] : memref<80000x256xf32, #tpu.memory_space<hbm>> -> memref<80000x256xf32, #tpu.memory_space<hbm>>
      tpu.wait_indirect_dma semaphore(%arg8 : memref<!tpu.dma_semaphore, #tpu.memory_space<semaphore_mem>>) src(%arg7 : memref<160x256xf32, #tpu.memory_space<vmem>>) dst(%dma_wait3A_8 : memref<80000x256xf32, #tpu.memory_space<hbm>>)
    } else {
    }
    return
  }
}

#map = affine_map<(d0, d1) -> (0)>
module attributes {stable_mosaic.version = 14 : i64} {
  func.func @_topk_body(%arg0: i32, %arg1: i32, %arg2: memref<80000xf32, #tpu.memory_space<hbm>>, %arg3: memref<80000xf32, #tpu.memory_space<hbm>>, %arg4: memref<16xf32, #tpu.memory_space<hbm>>, %arg5: memref<4000xi32, #tpu.memory_space<hbm>>, %arg6: memref<20000xf32, #tpu.memory_space<vmem>>, %arg7: memref<20000xf32, #tpu.memory_space<vmem>>, %arg8: memref<16xf32, #tpu.memory_space<vmem>>, %arg9: memref<20016xi32, #tpu.memory_space<vmem>>, %arg10: memref<20000xi32, #tpu.memory_space<vmem>>) attributes {dimension_semantics = [#tpu.dimension_semantics<core_parallel>, #tpu.dimension_semantics<subcore_parallel>], iteration_bounds = array<i64: 2, 16>, scalar_prefetch = 0 : i64, scratch_operands = 5 : i64, tpu.core_type = #tpu.core_type<sc_vector_subcore>, window_params = [{transform_indices = #map}, {transform_indices = #map}, {transform_indices = #map}, {transform_indices = #map}]} {
    %mul3A = arith.constant 2 : i32
    %mul3A_0 = arith.muli %arg1, %mul3A : i32
    %add3A = arith.addi %mul3A_0, %arg0 : i32
    %lt3A = arith.constant 4 : i32
    %lt3A_1 = arith.cmpi slt, %add3A, %lt3A : i32
    %convert_element_type3A = arith.extui %lt3A_1 : i1 to i32
    %cond3A = arith.constant 0 : i32
    %cond3A_2 = arith.cmpi ne, %convert_element_type3A, %cond3A : i32
    scf.if %cond3A_2 {
      %mul3A_3 = arith.constant 20000 : i32
      %mul3A_4 = arith.muli %add3A, %mul3A_3 : i32
      "tpu.region"() ({
        %run_scoped3A = tpu.sem_alloc : memref<!tpu.dma_semaphore, #tpu.memory_space<semaphore_mem>>
        %dma_start3A = tpu.memref_slice %arg2[%mul3A_4] : memref<80000xf32, #tpu.memory_space<hbm>> -> memref<20000xf32, #tpu.memory_space<hbm>>
        %dma_start3A_131 = tpu.memref_slice %arg2[%mul3A_4] : memref<80000xf32, #tpu.memory_space<hbm>> -> memref<20000xf32, #tpu.memory_space<hbm>>
        tpu.enqueue_dma source(%dma_start3A_131 : memref<20000xf32, #tpu.memory_space<hbm>>) target(%arg6 : memref<20000xf32, #tpu.memory_space<vmem>>) target_semaphore(%run_scoped3A : memref<!tpu.dma_semaphore, #tpu.memory_space<semaphore_mem>>)
        %dma_wait3A = tpu.memref_slice %arg2[%mul3A_4] : memref<80000xf32, #tpu.memory_space<hbm>> -> memref<20000xf32, #tpu.memory_space<hbm>>
        %dma_wait3A_132 = tpu.memref_slice %arg2[%mul3A_4] : memref<80000xf32, #tpu.memory_space<hbm>> -> memref<20000xf32, #tpu.memory_space<hbm>>
        tpu.wait_dma2 semaphore(%run_scoped3A : memref<!tpu.dma_semaphore, #tpu.memory_space<semaphore_mem>>) src(%dma_wait3A_132 : memref<20000xf32, #tpu.memory_space<hbm>>) dst(%arg6 : memref<20000xf32, #tpu.memory_space<vmem>>)
        tpu.yield
      }) : () -> ()
      %mul3A_5 = arith.constant 20000 : i32
      %mul3A_6 = arith.muli %add3A, %mul3A_5 : i32
      "tpu.region"() ({
        %run_scoped3A = tpu.sem_alloc : memref<!tpu.dma_semaphore, #tpu.memory_space<semaphore_mem>>
        %dma_start3A = tpu.memref_slice %arg3[%mul3A_6] : memref<80000xf32, #tpu.memory_space<hbm>> -> memref<20000xf32, #tpu.memory_space<hbm>>
        %dma_start3A_131 = tpu.memref_slice %arg3[%mul3A_6] : memref<80000xf32, #tpu.memory_space<hbm>> -> memref<20000xf32, #tpu.memory_space<hbm>>
        tpu.enqueue_dma source(%dma_start3A_131 : memref<20000xf32, #tpu.memory_space<hbm>>) target(%arg7 : memref<20000xf32, #tpu.memory_space<vmem>>) target_semaphore(%run_scoped3A : memref<!tpu.dma_semaphore, #tpu.memory_space<semaphore_mem>>)
        %dma_wait3A = tpu.memref_slice %arg3[%mul3A_6] : memref<80000xf32, #tpu.memory_space<hbm>> -> memref<20000xf32, #tpu.memory_space<hbm>>
        %dma_wait3A_132 = tpu.memref_slice %arg3[%mul3A_6] : memref<80000xf32, #tpu.memory_space<hbm>> -> memref<20000xf32, #tpu.memory_space<hbm>>
        tpu.wait_dma2 semaphore(%run_scoped3A : memref<!tpu.dma_semaphore, #tpu.memory_space<semaphore_mem>>) src(%dma_wait3A_132 : memref<20000xf32, #tpu.memory_space<hbm>>) dst(%arg7 : memref<20000xf32, #tpu.memory_space<vmem>>)
        tpu.yield
      }) : () -> ()
      "tpu.region"() ({
        %run_scoped3A = tpu.sem_alloc : memref<!tpu.dma_semaphore, #tpu.memory_space<semaphore_mem>>
        tpu.enqueue_dma source(%arg4 : memref<16xf32, #tpu.memory_space<hbm>>) target(%arg8 : memref<16xf32, #tpu.memory_space<vmem>>) target_semaphore(%run_scoped3A : memref<!tpu.dma_semaphore, #tpu.memory_space<semaphore_mem>>)
        tpu.wait_dma2 semaphore(%run_scoped3A : memref<!tpu.dma_semaphore, #tpu.memory_space<semaphore_mem>>) src(%arg4 : memref<16xf32, #tpu.memory_space<hbm>>) dst(%arg8 : memref<16xf32, #tpu.memory_space<vmem>>)
        tpu.yield
      }) : () -> ()
      %broadcast_in_dim3A = vector.broadcast %add3A : i32 to vector<16xi32>
      %gather3A = tpu.vector_load_idx %arg8[%broadcast_in_dim3A] : memref<16xf32, #tpu.memory_space<vmem>>[vector<16xi32>], vector<16xf32>,
      %scan3A = arith.constant 0 : i32
      %scan3A_7 = arith.constant 0 : i32
      %scan3A_8 = arith.constant 0 : i32
      %scan3A_9 = arith.constant 1248 : i32
      %scan3A_10 = arith.addi %scan3A_8, %scan3A_9 : i32
      %scan3A_11 = arith.constant 4 : i32
      %scan3A_12:2 = scf.for %scan3A_131 = %scan3A_8 to %scan3A_10 step %scan3A_11 iter_args(%scan3A_132 = %scan3A, %scan3A_133 = %scan3A_7) -> (i32, i32)  : i32 {
        %mul3A_134 = arith.constant 16 : i32
        %mul3A_135 = arith.muli %scan3A_131, %mul3A_134 : i32
        %get3A_136 = arith.index_cast %mul3A_135 : i32 to index
        %get3A_137 = tpu.vector_load %arg6[%get3A_136] {strides = array<i32>} : memref<20000xf32, #tpu.memory_space<vmem>>, vector<16xf32>,
        %get3A_138 = arith.index_cast %mul3A_135 : i32 to index
        %get3A_139 = tpu.vector_load %arg7[%get3A_138] {strides = array<i32>} : memref<20000xf32, #tpu.memory_space<vmem>>, vector<16xf32>,
        %add3A_140 = arith.addf %get3A_137, %get3A_139 : vector<16xf32>
        %iota3A_141 = tpu.iota {dimensions = array<i32: 0>} : vector<16xi32>
        %mul3A_142 = arith.constant 16 : i32
        %mul3A_143 = arith.muli %scan3A_131, %mul3A_142 : i32
        %add3A_144 = vector.broadcast %mul3A_143 : i32 to vector<16xi32>
        %add3A_145 = arith.addi %iota3A_141, %add3A_144 : vector<16xi32>
        %mul3A_146 = arith.constant 20000 : i32
        %mul3A_147 = arith.muli %add3A, %mul3A_146 : i32
        %add3A_148 = vector.broadcast %mul3A_147 : i32 to vector<16xi32>
        %add3A_149 = arith.addi %add3A_145, %add3A_148 : vector<16xi32>
        %gt3A_150 = arith.cmpf ogt, %add3A_140, %gather3A : vector<16xf32>
        %convert_element_type3A_151 = arith.extui %gt3A_150 : vector<16xi1> to vector<16xi32>
        %broadcast_in_dim3A_152 = arith.constant true
        %broadcast_in_dim3A_153 = vector.broadcast %broadcast_in_dim3A_152 : i1 to vector<16xi1>
        %masked_cumsum3A_154 = tpu.scan <sum>, %convert_element_type3A_151 masked %broadcast_in_dim3A_153 : vector<16xi32>, vector<16xi1> -> vector<16xi32>
        %add3A_155 = vector.broadcast %scan3A_132 : i32 to vector<16xi32>
        %add3A_156 = arith.addi %add3A_155, %masked_cumsum3A_154 : vector<16xi32>
        %sub3A_157 = arith.constant 1 : i32
        %sub3A_158 = vector.broadcast %sub3A_157 : i32 to vector<16xi32>
        %sub3A_159 = arith.subi %add3A_156, %sub3A_158 : vector<16xi32>
        tpu.vector_store_idx %arg9[%sub3A_159], %add3A_149 masked %gt3A_150 : memref<20016xi32, #tpu.memory_space<vmem>>[vector<16xi32>], vector<16xi32>, vector<16xi1>
        %eq3A_160 = arith.cmpf oeq, %add3A_140, %gather3A : vector<16xf32>
        %convert_element_type3A_161 = arith.extui %eq3A_160 : vector<16xi1> to vector<16xi32>
        %broadcast_in_dim3A_162 = arith.constant true
        %broadcast_in_dim3A_163 = vector.broadcast %broadcast_in_dim3A_162 : i1 to vector<16xi1>
        %masked_cumsum3A_164 = tpu.scan <sum>, %convert_element_type3A_161 masked %broadcast_in_dim3A_163 : vector<16xi32>, vector<16xi1> -> vector<16xi32>
        %add3A_165 = vector.broadcast %scan3A_133 : i32 to vector<16xi32>
        %add3A_166 = arith.addi %add3A_165, %masked_cumsum3A_164 : vector<16xi32>
        %sub3A_167 = arith.constant 1 : i32
        %sub3A_168 = vector.broadcast %sub3A_167 : i32 to vector<16xi32>
        %sub3A_169 = arith.subi %add3A_166, %sub3A_168 : vector<16xi32>
        tpu.vector_store_idx %arg10[%sub3A_169], %add3A_149 masked %eq3A_160 : memref<20000xi32, #tpu.memory_space<vmem>>[vector<16xi32>], vector<16xi32>, vector<16xi1>
        %slice3A_170 = vector.extract_strided_slice %masked_cumsum3A_154 {offsets = [15], sizes = [1], strides = [1]} : vector<16xi32> to vector<1xi32>
        %squeeze3A_171 = vector.extract %slice3A_170[0] : i32 from vector<1xi32>
        %add3A_172 = arith.addi %scan3A_132, %squeeze3A_171 : i32
        %slice3A_173 = vector.extract_strided_slice %masked_cumsum3A_164 {offsets = [15], sizes = [1], strides = [1]} : vector<16xi32> to vector<1xi32>
        %squeeze3A_174 = vector.extract %slice3A_173[0] : i32 from vector<1xi32>
        %add3A_175 = arith.addi %scan3A_133, %squeeze3A_174 : i32
        %scan3A_176 = arith.constant 1 : i32
        %scan3A_177 = arith.addi %scan3A_131, %scan3A_176 : i32
        %mul3A_178 = arith.constant 16 : i32
        %mul3A_179 = arith.muli %scan3A_177, %mul3A_178 : i32
        %get3A_180 = arith.index_cast %mul3A_179 : i32 to index
        %get3A_181 = tpu.vector_load %arg6[%get3A_180] {strides = array<i32>} : memref<20000xf32, #tpu.memory_space<vmem>>, vector<16xf32>,
        %get3A_182 = arith.index_cast %mul3A_179 : i32 to index
        %get3A_183 = tpu.vector_load %arg7[%get3A_182] {strides = array<i32>} : memref<20000xf32, #tpu.memory_space<vmem>>, vector<16xf32>,
        %add3A_184 = arith.addf %get3A_181, %get3A_183 : vector<16xf32>
        %iota3A_185 = tpu.iota {dimensions = array<i32: 0>} : vector<16xi32>
        %mul3A_186 = arith.constant 16 : i32
        %mul3A_187 = arith.muli %scan3A_177, %mul3A_186 : i32
        %add3A_188 = vector.broadcast %mul3A_187 : i32 to vector<16xi32>
        %add3A_189 = arith.addi %iota3A_185, %add3A_188 : vector<16xi32>
        %mul3A_190 = arith.constant 20000 : i32
        %mul3A_191 = arith.muli %add3A, %mul3A_190 : i32
        %add3A_192 = vector.broadcast %mul3A_191 : i32 to vector<16xi32>
        %add3A_193 = arith.addi %add3A_189, %add3A_192 : vector<16xi32>
        %gt3A_194 = arith.cmpf ogt, %add3A_184, %gather3A : vector<16xf32>
        %convert_element_type3A_195 = arith.extui %gt3A_194 : vector<16xi1> to vector<16xi32>
        %broadcast_in_dim3A_196 = arith.constant true
        %broadcast_in_dim3A_197 = vector.broadcast %broadcast_in_dim3A_196 : i1 to vector<16xi1>
        %masked_cumsum3A_198 = tpu.scan <sum>, %convert_element_type3A_195 masked %broadcast_in_dim3A_197 : vector<16xi32>, vector<16xi1> -> vector<16xi32>
        %add3A_199 = vector.broadcast %add3A_172 : i32 to vector<16xi32>
        %add3A_200 = arith.addi %add3A_199, %masked_cumsum3A_198 : vector<16xi32>
        %sub3A_201 = arith.constant 1 : i32
        %sub3A_202 = vector.broadcast %sub3A_201 : i32 to vector<16xi32>
        %sub3A_203 = arith.subi %add3A_200, %sub3A_202 : vector<16xi32>
        tpu.vector_store_idx %arg9[%sub3A_203], %add3A_193 masked %gt3A_194 : memref<20016xi32, #tpu.memory_space<vmem>>[vector<16xi32>], vector<16xi32>, vector<16xi1>
        %eq3A_204 = arith.cmpf oeq, %add3A_184, %gather3A : vector<16xf32>
        %convert_element_type3A_205 = arith.extui %eq3A_204 : vector<16xi1> to vector<16xi32>
        %broadcast_in_dim3A_206 = arith.constant true
        %broadcast_in_dim3A_207 = vector.broadcast %broadcast_in_dim3A_206 : i1 to vector<16xi1>
        %masked_cumsum3A_208 = tpu.scan <sum>, %convert_element_type3A_205 masked %broadcast_in_dim3A_207 : vector<16xi32>, vector<16xi1> -> vector<16xi32>
        %add3A_209 = vector.broadcast %add3A_175 : i32 to vector<16xi32>
        %add3A_210 = arith.addi %add3A_209, %masked_cumsum3A_208 : vector<16xi32>
        %sub3A_211 = arith.constant 1 : i32
        %sub3A_212 = vector.broadcast %sub3A_211 : i32 to vector<16xi32>
        %sub3A_213 = arith.subi %add3A_210, %sub3A_212 : vector<16xi32>
        tpu.vector_store_idx %arg10[%sub3A_213], %add3A_193 masked %eq3A_204 : memref<20000xi32, #tpu.memory_space<vmem>>[vector<16xi32>], vector<16xi32>, vector<16xi1>
        %slice3A_214 = vector.extract_strided_slice %masked_cumsum3A_198 {offsets = [15], sizes = [1], strides = [1]} : vector<16xi32> to vector<1xi32>
        %squeeze3A_215 = vector.extract %slice3A_214[0] : i32 from vector<1xi32>
        %add3A_216 = arith.addi %add3A_172, %squeeze3A_215 : i32
        %slice3A_217 = vector.extract_strided_slice %masked_cumsum3A_208 {offsets = [15], sizes = [1], strides = [1]} : vector<16xi32> to vector<1xi32>
        %squeeze3A_218 = vector.extract %slice3A_217[0] : i32 from vector<1xi32>
        %add3A_219 = arith.addi %add3A_175, %squeeze3A_218 : i32
        %scan3A_220 = arith.constant 2 : i32
        %scan3A_221 = arith.addi %scan3A_131, %scan3A_220 : i32
        %mul3A_222 = arith.constant 16 : i32
        %mul3A_223 = arith.muli %scan3A_221, %mul3A_222 : i32
        %get3A_224 = arith.index_cast %mul3A_223 : i32 to index
        %get3A_225 = tpu.vector_load %arg6[%get3A_224] {strides = array<i32>} : memref<20000xf32, #tpu.memory_space<vmem>>, vector<16xf32>,
        %get3A_226 = arith.index_cast %mul3A_223 : i32 to index
        %get3A_227 = tpu.vector_load %arg7[%get3A_226] {strides = array<i32>} : memref<20000xf32, #tpu.memory_space<vmem>>, vector<16xf32>,
        %add3A_228 = arith.addf %get3A_225, %get3A_227 : vector<16xf32>
        %iota3A_229 = tpu.iota {dimensions = array<i32: 0>} : vector<16xi32>
        %mul3A_230 = arith.constant 16 : i32
        %mul3A_231 = arith.muli %scan3A_221, %mul3A_230 : i32
        %add3A_232 = vector.broadcast %mul3A_231 : i32 to vector<16xi32>
        %add3A_233 = arith.addi %iota3A_229, %add3A_232 : vector<16xi32>
        %mul3A_234 = arith.constant 20000 : i32
        %mul3A_235 = arith.muli %add3A, %mul3A_234 : i32
        %add3A_236 = vector.broadcast %mul3A_235 : i32 to vector<16xi32>
        %add3A_237 = arith.addi %add3A_233, %add3A_236 : vector<16xi32>
        %gt3A_238 = arith.cmpf ogt, %add3A_228, %gather3A : vector<16xf32>
        %convert_element_type3A_239 = arith.extui %gt3A_238 : vector<16xi1> to vector<16xi32>
        %broadcast_in_dim3A_240 = arith.constant true
        %broadcast_in_dim3A_241 = vector.broadcast %broadcast_in_dim3A_240 : i1 to vector<16xi1>
        %masked_cumsum3A_242 = tpu.scan <sum>, %convert_element_type3A_239 masked %broadcast_in_dim3A_241 : vector<16xi32>, vector<16xi1> -> vector<16xi32>
        %add3A_243 = vector.broadcast %add3A_216 : i32 to vector<16xi32>
        %add3A_244 = arith.addi %add3A_243, %masked_cumsum3A_242 : vector<16xi32>
        %sub3A_245 = arith.constant 1 : i32
        %sub3A_246 = vector.broadcast %sub3A_245 : i32 to vector<16xi32>
        %sub3A_247 = arith.subi %add3A_244, %sub3A_246 : vector<16xi32>
        tpu.vector_store_idx %arg9[%sub3A_247], %add3A_237 masked %gt3A_238 : memref<20016xi32, #tpu.memory_space<vmem>>[vector<16xi32>], vector<16xi32>, vector<16xi1>
        %eq3A_248 = arith.cmpf oeq, %add3A_228, %gather3A : vector<16xf32>
        %convert_element_type3A_249 = arith.extui %eq3A_248 : vector<16xi1> to vector<16xi32>
        %broadcast_in_dim3A_250 = arith.constant true
        %broadcast_in_dim3A_251 = vector.broadcast %broadcast_in_dim3A_250 : i1 to vector<16xi1>
        %masked_cumsum3A_252 = tpu.scan <sum>, %convert_element_type3A_249 masked %broadcast_in_dim3A_251 : vector<16xi32>, vector<16xi1> -> vector<16xi32>
        %add3A_253 = vector.broadcast %add3A_219 : i32 to vector<16xi32>
        %add3A_254 = arith.addi %add3A_253, %masked_cumsum3A_252 : vector<16xi32>
        %sub3A_255 = arith.constant 1 : i32
        %sub3A_256 = vector.broadcast %sub3A_255 : i32 to vector<16xi32>
        %sub3A_257 = arith.subi %add3A_254, %sub3A_256 : vector<16xi32>
        tpu.vector_store_idx %arg10[%sub3A_257], %add3A_237 masked %eq3A_248 : memref<20000xi32, #tpu.memory_space<vmem>>[vector<16xi32>], vector<16xi32>, vector<16xi1>
        %slice3A_258 = vector.extract_strided_slice %masked_cumsum3A_242 {offsets = [15], sizes = [1], strides = [1]} : vector<16xi32> to vector<1xi32>
        %squeeze3A_259 = vector.extract %slice3A_258[0] : i32 from vector<1xi32>
        %add3A_260 = arith.addi %add3A_216, %squeeze3A_259 : i32
        %slice3A_261 = vector.extract_strided_slice %masked_cumsum3A_252 {offsets = [15], sizes = [1], strides = [1]} : vector<16xi32> to vector<1xi32>
        %squeeze3A_262 = vector.extract %slice3A_261[0] : i32 from vector<1xi32>
        %add3A_263 = arith.addi %add3A_219, %squeeze3A_262 : i32
        %scan3A_264 = arith.constant 3 : i32
        %scan3A_265 = arith.addi %scan3A_131, %scan3A_264 : i32
        %mul3A_266 = arith.constant 16 : i32
        %mul3A_267 = arith.muli %scan3A_265, %mul3A_266 : i32
        %get3A_268 = arith.index_cast %mul3A_267 : i32 to index
        %get3A_269 = tpu.vector_load %arg6[%get3A_268] {strides = array<i32>} : memref<20000xf32, #tpu.memory_space<vmem>>, vector<16xf32>,
        %get3A_270 = arith.index_cast %mul3A_267 : i32 to index
        %get3A_271 = tpu.vector_load %arg7[%get3A_270] {strides = array<i32>} : memref<20000xf32, #tpu.memory_space<vmem>>, vector<16xf32>,
        %add3A_272 = arith.addf %get3A_269, %get3A_271 : vector<16xf32>
        %iota3A_273 = tpu.iota {dimensions = array<i32: 0>} : vector<16xi32>
        %mul3A_274 = arith.constant 16 : i32
        %mul3A_275 = arith.muli %scan3A_265, %mul3A_274 : i32
        %add3A_276 = vector.broadcast %mul3A_275 : i32 to vector<16xi32>
        %add3A_277 = arith.addi %iota3A_273, %add3A_276 : vector<16xi32>
        %mul3A_278 = arith.constant 20000 : i32
        %mul3A_279 = arith.muli %add3A, %mul3A_278 : i32
        %add3A_280 = vector.broadcast %mul3A_279 : i32 to vector<16xi32>
        %add3A_281 = arith.addi %add3A_277, %add3A_280 : vector<16xi32>
        %gt3A_282 = arith.cmpf ogt, %add3A_272, %gather3A : vector<16xf32>
        %convert_element_type3A_283 = arith.extui %gt3A_282 : vector<16xi1> to vector<16xi32>
        %broadcast_in_dim3A_284 = arith.constant true
        %broadcast_in_dim3A_285 = vector.broadcast %broadcast_in_dim3A_284 : i1 to vector<16xi1>
        %masked_cumsum3A_286 = tpu.scan <sum>, %convert_element_type3A_283 masked %broadcast_in_dim3A_285 : vector<16xi32>, vector<16xi1> -> vector<16xi32>
        %add3A_287 = vector.broadcast %add3A_260 : i32 to vector<16xi32>
        %add3A_288 = arith.addi %add3A_287, %masked_cumsum3A_286 : vector<16xi32>
        %sub3A_289 = arith.constant 1 : i32
        %sub3A_290 = vector.broadcast %sub3A_289 : i32 to vector<16xi32>
        %sub3A_291 = arith.subi %add3A_288, %sub3A_290 : vector<16xi32>
        tpu.vector_store_idx %arg9[%sub3A_291], %add3A_281 masked %gt3A_282 : memref<20016xi32, #tpu.memory_space<vmem>>[vector<16xi32>], vector<16xi32>, vector<16xi1>
        %eq3A_292 = arith.cmpf oeq, %add3A_272, %gather3A : vector<16xf32>
        %convert_element_type3A_293 = arith.extui %eq3A_292 : vector<16xi1> to vector<16xi32>
        %broadcast_in_dim3A_294 = arith.constant true
        %broadcast_in_dim3A_295 = vector.broadcast %broadcast_in_dim3A_294 : i1 to vector<16xi1>
        %masked_cumsum3A_296 = tpu.scan <sum>, %convert_element_type3A_293 masked %broadcast_in_dim3A_295 : vector<16xi32>, vector<16xi1> -> vector<16xi32>
        %add3A_297 = vector.broadcast %add3A_263 : i32 to vector<16xi32>
        %add3A_298 = arith.addi %add3A_297, %masked_cumsum3A_296 : vector<16xi32>
        %sub3A_299 = arith.constant 1 : i32
        %sub3A_300 = vector.broadcast %sub3A_299 : i32 to vector<16xi32>
        %sub3A_301 = arith.subi %add3A_298, %sub3A_300 : vector<16xi32>
        tpu.vector_store_idx %arg10[%sub3A_301], %add3A_281 masked %eq3A_292 : memref<20000xi32, #tpu.memory_space<vmem>>[vector<16xi32>], vector<16xi32>, vector<16xi1>
        %slice3A_302 = vector.extract_strided_slice %masked_cumsum3A_286 {offsets = [15], sizes = [1], strides = [1]} : vector<16xi32> to vector<1xi32>
        %squeeze3A_303 = vector.extract %slice3A_302[0] : i32 from vector<1xi32>
        %add3A_304 = arith.addi %add3A_260, %squeeze3A_303 : i32
        %slice3A_305 = vector.extract_strided_slice %masked_cumsum3A_296 {offsets = [15], sizes = [1], strides = [1]} : vector<16xi32> to vector<1xi32>
        %squeeze3A_306 = vector.extract %slice3A_305[0] : i32 from vector<1xi32>
        %add3A_307 = arith.addi %add3A_263, %squeeze3A_306 : i32
        scf.yield %add3A_304, %add3A_307 : i32, i32
      }
      %scan3A_13 = arith.constant 1248 : i32
      %scan3A_14 = arith.addi %scan3A_8, %scan3A_13 : i32
      %mul3A_15 = arith.constant 16 : i32
      %mul3A_16 = arith.muli %scan3A_14, %mul3A_15 : i32
      %get3A = arith.index_cast %mul3A_16 : i32 to index
      %get3A_17 = tpu.vector_load %arg6[%get3A] {strides = array<i32>} : memref<20000xf32, #tpu.memory_space<vmem>>, vector<16xf32>,
      %get3A_18 = arith.index_cast %mul3A_16 : i32 to index
      %get3A_19 = tpu.vector_load %arg7[%get3A_18] {strides = array<i32>} : memref<20000xf32, #tpu.memory_space<vmem>>, vector<16xf32>,
      %add3A_20 = arith.addf %get3A_17, %get3A_19 : vector<16xf32>
      %iota3A = tpu.iota {dimensions = array<i32: 0>} : vector<16xi32>
      %mul3A_21 = arith.constant 16 : i32
      %mul3A_22 = arith.muli %scan3A_14, %mul3A_21 : i32
      %add3A_23 = vector.broadcast %mul3A_22 : i32 to vector<16xi32>
      %add3A_24 = arith.addi %iota3A, %add3A_23 : vector<16xi32>
      %mul3A_25 = arith.constant 20000 : i32
      %mul3A_26 = arith.muli %add3A, %mul3A_25 : i32
      %add3A_27 = vector.broadcast %mul3A_26 : i32 to vector<16xi32>
      %add3A_28 = arith.addi %add3A_24, %add3A_27 : vector<16xi32>
      %gt3A = arith.cmpf ogt, %add3A_20, %gather3A : vector<16xf32>
      %convert_element_type3A_29 = arith.extui %gt3A : vector<16xi1> to vector<16xi32>
      %broadcast_in_dim3A_30 = arith.constant true
      %broadcast_in_dim3A_31 = vector.broadcast %broadcast_in_dim3A_30 : i1 to vector<16xi1>
      %masked_cumsum3A = tpu.scan <sum>, %convert_element_type3A_29 masked %broadcast_in_dim3A_31 : vector<16xi32>, vector<16xi1> -> vector<16xi32>
      %add3A_32 = vector.broadcast %scan3A_12#0 : i32 to vector<16xi32>
      %add3A_33 = arith.addi %add3A_32, %masked_cumsum3A : vector<16xi32>
      %sub3A = arith.constant 1 : i32
      %sub3A_34 = vector.broadcast %sub3A : i32 to vector<16xi32>
      %sub3A_35 = arith.subi %add3A_33, %sub3A_34 : vector<16xi32>
      tpu.vector_store_idx %arg9[%sub3A_35], %add3A_28 masked %gt3A : memref<20016xi32, #tpu.memory_space<vmem>>[vector<16xi32>], vector<16xi32>, vector<16xi1>
      %eq3A = arith.cmpf oeq, %add3A_20, %gather3A : vector<16xf32>
      %convert_element_type3A_36 = arith.extui %eq3A : vector<16xi1> to vector<16xi32>
      %broadcast_in_dim3A_37 = arith.constant true
      %broadcast_in_dim3A_38 = vector.broadcast %broadcast_in_dim3A_37 : i1 to vector<16xi1>
      %masked_cumsum3A_39 = tpu.scan <sum>, %convert_element_type3A_36 masked %broadcast_in_dim3A_38 : vector<16xi32>, vector<16xi1> -> vector<16xi32>
      %add3A_40 = vector.broadcast %scan3A_12#1 : i32 to vector<16xi32>
      %add3A_41 = arith.addi %add3A_40, %masked_cumsum3A_39 : vector<16xi32>
      %sub3A_42 = arith.constant 1 : i32
      %sub3A_43 = vector.broadcast %sub3A_42 : i32 to vector<16xi32>
      %sub3A_44 = arith.subi %add3A_41, %sub3A_43 : vector<16xi32>
      tpu.vector_store_idx %arg10[%sub3A_44], %add3A_28 masked %eq3A : memref<20000xi32, #tpu.memory_space<vmem>>[vector<16xi32>], vector<16xi32>, vector<16xi1>
      %slice3A = vector.extract_strided_slice %masked_cumsum3A {offsets = [15], sizes = [1], strides = [1]} : vector<16xi32> to vector<1xi32>
      %squeeze3A = vector.extract %slice3A[0] : i32 from vector<1xi32>
      %add3A_45 = arith.addi %scan3A_12#0, %squeeze3A : i32
      %slice3A_46 = vector.extract_strided_slice %masked_cumsum3A_39 {offsets = [15], sizes = [1], strides = [1]} : vector<16xi32> to vector<1xi32>
      %squeeze3A_47 = vector.extract %slice3A_46[0] : i32 from vector<1xi32>
      %add3A_48 = arith.addi %scan3A_12#1, %squeeze3A_47 : i32
      %scan3A_49 = arith.constant 1249 : i32
      %scan3A_50 = arith.addi %scan3A_8, %scan3A_49 : i32
      %mul3A_51 = arith.constant 16 : i32
      %mul3A_52 = arith.muli %scan3A_50, %mul3A_51 : i32
      %get3A_53 = arith.index_cast %mul3A_52 : i32 to index
      %get3A_54 = tpu.vector_load %arg6[%get3A_53] {strides = array<i32>} : memref<20000xf32, #tpu.memory_space<vmem>>, vector<16xf32>,
      %get3A_55 = arith.index_cast %mul3A_52 : i32 to index
      %get3A_56 = tpu.vector_load %arg7[%get3A_55] {strides = array<i32>} : memref<20000xf32, #tpu.memory_space<vmem>>, vector<16xf32>,
      %add3A_57 = arith.addf %get3A_54, %get3A_56 : vector<16xf32>
      %iota3A_58 = tpu.iota {dimensions = array<i32: 0>} : vector<16xi32>
      %mul3A_59 = arith.constant 16 : i32
      %mul3A_60 = arith.muli %scan3A_50, %mul3A_59 : i32
      %add3A_61 = vector.broadcast %mul3A_60 : i32 to vector<16xi32>
      %add3A_62 = arith.addi %iota3A_58, %add3A_61 : vector<16xi32>
      %mul3A_63 = arith.constant 20000 : i32
      %mul3A_64 = arith.muli %add3A, %mul3A_63 : i32
      %add3A_65 = vector.broadcast %mul3A_64 : i32 to vector<16xi32>
      %add3A_66 = arith.addi %add3A_62, %add3A_65 : vector<16xi32>
      %gt3A_67 = arith.cmpf ogt, %add3A_57, %gather3A : vector<16xf32>
      %convert_element_type3A_68 = arith.extui %gt3A_67 : vector<16xi1> to vector<16xi32>
      %broadcast_in_dim3A_69 = arith.constant true
      %broadcast_in_dim3A_70 = vector.broadcast %broadcast_in_dim3A_69 : i1 to vector<16xi1>
      %masked_cumsum3A_71 = tpu.scan <sum>, %convert_element_type3A_68 masked %broadcast_in_dim3A_70 : vector<16xi32>, vector<16xi1> -> vector<16xi32>
      %add3A_72 = vector.broadcast %add3A_45 : i32 to vector<16xi32>
      %add3A_73 = arith.addi %add3A_72, %masked_cumsum3A_71 : vector<16xi32>
      %sub3A_74 = arith.constant 1 : i32
      %sub3A_75 = vector.broadcast %sub3A_74 : i32 to vector<16xi32>
      %sub3A_76 = arith.subi %add3A_73, %sub3A_75 : vector<16xi32>
      tpu.vector_store_idx %arg9[%sub3A_76], %add3A_66 masked %gt3A_67 : memref<20016xi32, #tpu.memory_space<vmem>>[vector<16xi32>], vector<16xi32>, vector<16xi1>
      %eq3A_77 = arith.cmpf oeq, %add3A_57, %gather3A : vector<16xf32>
      %convert_element_type3A_78 = arith.extui %eq3A_77 : vector<16xi1> to vector<16xi32>
      %broadcast_in_dim3A_79 = arith.constant true
      %broadcast_in_dim3A_80 = vector.broadcast %broadcast_in_dim3A_79 : i1 to vector<16xi1>
      %masked_cumsum3A_81 = tpu.scan <sum>, %convert_element_type3A_78 masked %broadcast_in_dim3A_80 : vector<16xi32>, vector<16xi1> -> vector<16xi32>
      %add3A_82 = vector.broadcast %add3A_48 : i32 to vector<16xi32>
      %add3A_83 = arith.addi %add3A_82, %masked_cumsum3A_81 : vector<16xi32>
      %sub3A_84 = arith.constant 1 : i32
      %sub3A_85 = vector.broadcast %sub3A_84 : i32 to vector<16xi32>
      %sub3A_86 = arith.subi %add3A_83, %sub3A_85 : vector<16xi32>
      tpu.vector_store_idx %arg10[%sub3A_86], %add3A_66 masked %eq3A_77 : memref<20000xi32, #tpu.memory_space<vmem>>[vector<16xi32>], vector<16xi32>, vector<16xi1>
      %slice3A_87 = vector.extract_strided_slice %masked_cumsum3A_71 {offsets = [15], sizes = [1], strides = [1]} : vector<16xi32> to vector<1xi32>
      %squeeze3A_88 = vector.extract %slice3A_87[0] : i32 from vector<1xi32>
      %add3A_89 = arith.addi %add3A_45, %squeeze3A_88 : i32
      %slice3A_90 = vector.extract_strided_slice %masked_cumsum3A_81 {offsets = [15], sizes = [1], strides = [1]} : vector<16xi32> to vector<1xi32>
      %squeeze3A_91 = vector.extract %slice3A_90[0] : i32 from vector<1xi32>
      %add3A_92 = arith.addi %add3A_48, %squeeze3A_91 : i32
      %scan3A_93 = arith.constant 1250 : i32
      %sub3A_94 = arith.constant 1000 : i32
      %sub3A_95 = arith.subi %sub3A_94, %add3A_89 : i32
      %iota3A_96 = tpu.iota {dimensions = array<i32: 0>} : vector<16xi32>
      %add3A_97 = arith.constant 16 : i32
      %add3A_98 = arith.addi %sub3A_95, %add3A_97 : i32
      %sub3A_99 = arith.constant 1 : i32
      %sub3A_100 = arith.subi %add3A_98, %sub3A_99 : i32
      %jit3A = arith.constant 16 : i32
      %div3A = arith.divsi %sub3A_100, %jit3A : i32
      %sign3A = arith.constant 0 : i32
      %sign3A_101 = arith.cmpi sgt, %sub3A_100, %sign3A : i32
      %sign3A_102 = arith.extui %sign3A_101 : i1 to i32
      %sign3A_103 = arith.constant 0 : i32
      %sign3A_104 = arith.cmpi slt, %sub3A_100, %sign3A_103 : i32
      %sign3A_105 = arith.extui %sign3A_104 : i1 to i32
      %sign3A_106 = arith.subi %sign3A_102, %sign3A_105 : i32
      %sign3A_107 = arith.constant 0 : i32
      %sign3A_108 = arith.cmpi sgt, %jit3A, %sign3A_107 : i32
      %sign3A_109 = arith.extui %sign3A_108 : i1 to i32
      %sign3A_110 = arith.constant 0 : i32
      %sign3A_111 = arith.cmpi slt, %jit3A, %sign3A_110 : i32
      %sign3A_112 = arith.extui %sign3A_111 : i1 to i32
      %sign3A_113 = arith.subi %sign3A_109, %sign3A_112 : i32
      %ne3A = arith.cmpi ne, %sign3A_106, %sign3A_113 : i32
      %rem3A = arith.remsi %sub3A_100, %jit3A : i32
      %ne3A_114 = arith.constant 0 : i32
      %ne3A_115 = arith.cmpi ne, %rem3A, %ne3A_114 : i32
      %and3A = arith.andi %ne3A, %ne3A_115 : i1
      %sub3A_116 = arith.constant 1 : i32
      %sub3A_117 = arith.subi %div3A, %sub3A_116 : i32
      %select_n3A = arith.select %and3A, %sub3A_117, %div3A : i32
      %while3A = arith.constant 0 : i32
      %while3A_118 = arith.constant 0 : i32
      %while3A_119 = arith.subi %select_n3A, %while3A : i32
      %while3A_120 = arith.addi %while3A, %while3A_119 : i32
      %while3A_121 = arith.constant 1 : i32
      %while3A_122 = arith.divsi %while3A_119, %while3A_121 : i32
      %while3A_123 = arith.muli %while3A_122, %while3A_121 : i32
      %while3A_124 = arith.addi %while3A, %while3A_123 : i32
      %while3A_125 = arith.constant 1 : i32
      %while3A_126 = scf.for %while3A_131 = %while3A to %while3A_124 step %while3A_125 iter_args(%while3A_132 = %while3A_118) -> (i32)  : i32 {
        %mul3A_133 = arith.constant 16 : i32
        %mul3A_134 = arith.muli %while3A_131, %mul3A_133 : i32
        %add3A_135 = vector.broadcast %mul3A_134 : i32 to vector<16xi32>
        %add3A_136 = arith.addi %iota3A_96, %add3A_135 : vector<16xi32>
        %gather3A_137 = tpu.vector_load_idx %arg10[%add3A_136] : memref<20000xi32, #tpu.memory_space<vmem>>[vector<16xi32>], vector<16xi32>,
        %add3A_138 = vector.broadcast %add3A_89 : i32 to vector<16xi32>
        %add3A_139 = arith.addi %iota3A_96, %add3A_138 : vector<16xi32>
        %mul3A_140 = arith.constant 16 : i32
        %mul3A_141 = arith.muli %while3A_131, %mul3A_140 : i32
        %add3A_142 = vector.broadcast %mul3A_141 : i32 to vector<16xi32>
        %add3A_143 = arith.addi %add3A_139, %add3A_142 : vector<16xi32>
        tpu.vector_store_idx %arg9[%add3A_143], %gather3A_137 : memref<20016xi32, #tpu.memory_space<vmem>>[vector<16xi32>], vector<16xi32>,
        %while3A_144 = arith.constant 0 : i32
        scf.yield %while3A_144 : i32
      }
      %while3A_127 = arith.constant 1 : i32
      %while3A_128 = scf.for %while3A_131 = %while3A_124 to %while3A_120 step %while3A_127 iter_args(%while3A_132 = %while3A_126) -> (i32)  : i32 {
        %mul3A_133 = arith.constant 16 : i32
        %mul3A_134 = arith.muli %while3A_131, %mul3A_133 : i32
        %add3A_135 = vector.broadcast %mul3A_134 : i32 to vector<16xi32>
        %add3A_136 = arith.addi %iota3A_96, %add3A_135 : vector<16xi32>
        %gather3A_137 = tpu.vector_load_idx %arg10[%add3A_136] : memref<20000xi32, #tpu.memory_space<vmem>>[vector<16xi32>], vector<16xi32>,
        %add3A_138 = vector.broadcast %add3A_89 : i32 to vector<16xi32>
        %add3A_139 = arith.addi %iota3A_96, %add3A_138 : vector<16xi32>
        %mul3A_140 = arith.constant 16 : i32
        %mul3A_141 = arith.muli %while3A_131, %mul3A_140 : i32
        %add3A_142 = vector.broadcast %mul3A_141 : i32 to vector<16xi32>
        %add3A_143 = arith.addi %add3A_139, %add3A_142 : vector<16xi32>
        tpu.vector_store_idx %arg9[%add3A_143], %gather3A_137 : memref<20016xi32, #tpu.memory_space<vmem>>[vector<16xi32>], vector<16xi32>,
        %while3A_144 = arith.constant 0 : i32
        scf.yield %while3A_144 : i32
      }
      %mul3A_129 = arith.constant 1000 : i32
      %mul3A_130 = arith.muli %add3A, %mul3A_129 : i32
      "tpu.region"() ({
        %run_scoped3A = tpu.sem_alloc : memref<!tpu.dma_semaphore, #tpu.memory_space<semaphore_mem>>
        %dma_start3A = arith.constant 0 : i32
        %dma_start3A_131 = tpu.memref_slice %arg9[%dma_start3A] : memref<20016xi32, #tpu.memory_space<vmem>> -> memref<1000xi32, #tpu.memory_space<vmem>>
        %dma_start3A_132 = tpu.memref_slice %arg5[%mul3A_130] : memref<4000xi32, #tpu.memory_space<hbm>> -> memref<1000xi32, #tpu.memory_space<hbm>>
        %dma_start3A_133 = tpu.memref_slice %arg5[%mul3A_130] : memref<4000xi32, #tpu.memory_space<hbm>> -> memref<1000xi32, #tpu.memory_space<hbm>>
        %dma_start3A_134 = arith.constant 0 : i32
        %dma_start3A_135 = tpu.memref_slice %arg9[%dma_start3A_134] : memref<20016xi32, #tpu.memory_space<vmem>> -> memref<1000xi32, #tpu.memory_space<vmem>>
        tpu.enqueue_dma source(%dma_start3A_135 : memref<1000xi32, #tpu.memory_space<vmem>>) target(%dma_start3A_133 : memref<1000xi32, #tpu.memory_space<hbm>>) target_semaphore(%run_scoped3A : memref<!tpu.dma_semaphore, #tpu.memory_space<semaphore_mem>>)
        %dma_wait3A = arith.constant 0 : i32
        %dma_wait3A_136 = tpu.memref_slice %arg9[%dma_wait3A] : memref<20016xi32, #tpu.memory_space<vmem>> -> memref<1000xi32, #tpu.memory_space<vmem>>
        %dma_wait3A_137 = tpu.memref_slice %arg5[%mul3A_130] : memref<4000xi32, #tpu.memory_space<hbm>> -> memref<1000xi32, #tpu.memory_space<hbm>>
        %dma_wait3A_138 = tpu.memref_slice %arg5[%mul3A_130] : memref<4000xi32, #tpu.memory_space<hbm>> -> memref<1000xi32, #tpu.memory_space<hbm>>
        %dma_wait3A_139 = arith.constant 0 : i32
        %dma_wait3A_140 = tpu.memref_slice %arg9[%dma_wait3A_139] : memref<20016xi32, #tpu.memory_space<vmem>> -> memref<1000xi32, #tpu.memory_space<vmem>>
        tpu.wait_dma2 semaphore(%run_scoped3A : memref<!tpu.dma_semaphore, #tpu.memory_space<semaphore_mem>>) src(%dma_wait3A_140 : memref<1000xi32, #tpu.memory_space<vmem>>) dst(%dma_wait3A_138 : memref<1000xi32, #tpu.memory_space<hbm>>)
        tpu.yield
      }) : () -> ()
    } else {
    }
    return
  }
}

module attributes {stable_mosaic.version = 14 : i64} {
  func.func @_thresh_body(%arg0: i32, %arg1: memref<4x20000xf32, #tpu.memory_space<vmem>>, %arg2: memref<4x20000xf32, #tpu.memory_space<vmem>>, %arg3: memref<4x128xf32, #tpu.memory_space<vmem>>) attributes {dimension_semantics = [#tpu.dimension_semantics<arbitrary>], iteration_bounds = array<i64: 1>, scalar_prefetch = 0 : i64, scratch_operands = 0 : i64, tpu.core_type = #tpu.core_type<tc>, window_params = [{pipeline_mode = #tpu.pipeline_mode<synchronous>, transform_indices = @transform_0, window_bounds = array<i64: 4, 20000>}, {pipeline_mode = #tpu.pipeline_mode<synchronous>, transform_indices = @transform_1, window_bounds = array<i64: 4, 20000>}, {pipeline_mode = #tpu.pipeline_mode<synchronous>, transform_indices = @transform_2, window_bounds = array<i64: 4, 128>}]} {
    %get3A = arith.constant 0 : index
    %get3A_0 = arith.constant 0 : index
    %get3A_1 = vector.load %arg1[%get3A, %get3A_0] : memref<4x20000xf32, #tpu.memory_space<vmem>>, vector<4x20000xf32>
    %get3A_2 = arith.constant 0 : index
    %get3A_3 = arith.constant 0 : index
    %get3A_4 = vector.load %arg2[%get3A_2, %get3A_3] : memref<4x20000xf32, #tpu.memory_space<vmem>>, vector<4x20000xf32>
    %add3A = arith.addf %get3A_1, %get3A_4 : vector<4x20000xf32>
    %broadcast_in_dim3A = arith.constant 8388607 : i32
    %broadcast_in_dim3A_5 = vector.broadcast %broadcast_in_dim3A : i32 to vector<4x1xi32>
    %broadcast_in_dim3A_6 = arith.constant -8388608 : i32
    %broadcast_in_dim3A_7 = vector.broadcast %broadcast_in_dim3A_6 : i32 to vector<4x1xi32>
    %scan3A = arith.constant 0 : i32
    %scan3A_8 = arith.constant 32 : i32
    %scan3A_9 = arith.addi %scan3A, %scan3A_8 : i32
    %scan3A_10 = arith.constant 1 : i32
    %scan3A_11:2 = scf.for %scan3A_21 = %scan3A to %scan3A_9 step %scan3A_10 iter_args(%scan3A_22 = %broadcast_in_dim3A_5, %scan3A_23 = %broadcast_in_dim3A_7) -> (vector<4x1xi32>, vector<4x1xi32>)  : i32 {
      %sub3A = arith.subi %scan3A_23, %scan3A_22 : vector<4x1xi32>
      %jit3A = arith.constant 2 : i32
      %div3A = vector.broadcast %jit3A : i32 to vector<4x1xi32>
      %div3A_24 = arith.divui %sub3A, %div3A : vector<4x1xi32>
      %add3A_25 = arith.addi %scan3A_22, %div3A_24 : vector<4x1xi32>
      %add3A_26 = arith.constant 1 : i32
      %add3A_27 = vector.broadcast %add3A_26 : i32 to vector<4x1xi32>
      %add3A_28 = arith.addi %add3A_25, %add3A_27 : vector<4x1xi32>
      %ge3A_29 = arith.constant -2147483648 : i32
      %ge3A_30 = vector.broadcast %ge3A_29 : i32 to vector<4x1xi32>
      %ge3A_31 = arith.cmpi uge, %add3A_28, %ge3A_30 : vector<4x1xi32>
      %xor3A_32 = arith.constant -2147483648 : i32
      %xor3A_33 = vector.broadcast %xor3A_32 : i32 to vector<4x1xi32>
      %xor3A_34 = arith.xori %add3A_28, %xor3A_33 : vector<4x1xi32>
      %not3A_35 = arith.constant dense<-1> : vector<4x1xi32>
      %not3A_36 = arith.xori %add3A_28, %not3A_35 : vector<4x1xi32>
      %select_n3A_37 = arith.select %ge3A_31, %xor3A_34, %not3A_36 : vector<4x1xi1>, vector<4x1xi32>
      %bitcast_convert_type3A_38 = tpu.bitcast %select_n3A_37 : vector<4x1xi32> -> vector<4x1xf32>
      %ge3A_39 = vector.broadcast %bitcast_convert_type3A_38 : vector<4x1xf32> to vector<4x20000xf32>
      %ge3A_40 = arith.cmpf oge, %add3A, %ge3A_39 : vector<4x20000xf32>
      %convert_element_type3A = arith.extui %ge3A_40 : vector<4x20000xi1> to vector<4x20000xi32>
      %reduce_sum3A = arith.constant dense<0> : vector<4xi32>
      %reduce_sum3A_41 = vector.multi_reduction <add>, %convert_element_type3A, %reduce_sum3A [1] : vector<4x20000xi32> to vector<4xi32>
      %broadcast_in_dim3A_42 = vector.shape_cast %reduce_sum3A_41 : vector<4xi32> to vector<4x1xi32>
      %ge3A_43 = arith.constant 1000 : i32
      %ge3A_44 = vector.broadcast %ge3A_43 : i32 to vector<4x1xi32>
      %ge3A_45 = arith.cmpi sge, %broadcast_in_dim3A_42, %ge3A_44 : vector<4x1xi32>
      %select_n3A_46 = arith.select %ge3A_45, %add3A_28, %scan3A_22 : vector<4x1xi1>, vector<4x1xi32>
      %sub3A_47 = arith.constant 1 : i32
      %sub3A_48 = vector.broadcast %sub3A_47 : i32 to vector<4x1xi32>
      %sub3A_49 = arith.subi %add3A_28, %sub3A_48 : vector<4x1xi32>
      %select_n3A_50 = arith.select %ge3A_45, %scan3A_23, %sub3A_49 : vector<4x1xi1>, vector<4x1xi32>
      scf.yield %select_n3A_46, %select_n3A_50 : vector<4x1xi32>, vector<4x1xi32>
    }
    %ge3A = arith.constant -2147483648 : i32
    %ge3A_12 = vector.broadcast %ge3A : i32 to vector<4x1xi32>
    %ge3A_13 = arith.cmpi uge, %scan3A_11#0, %ge3A_12 : vector<4x1xi32>
    %xor3A = arith.constant -2147483648 : i32
    %xor3A_14 = vector.broadcast %xor3A : i32 to vector<4x1xi32>
    %xor3A_15 = arith.xori %scan3A_11#0, %xor3A_14 : vector<4x1xi32>
    %not3A = arith.constant dense<-1> : vector<4x1xi32>
    %not3A_16 = arith.xori %scan3A_11#0, %not3A : vector<4x1xi32>
    %select_n3A = arith.select %ge3A_13, %xor3A_15, %not3A_16 : vector<4x1xi1>, vector<4x1xi32>
    %bitcast_convert_type3A = tpu.bitcast %select_n3A : vector<4x1xi32> -> vector<4x1xf32>
    %broadcast_in_dim3A_17 = vector.shape_cast %bitcast_convert_type3A : vector<4x1xf32> to vector<4x1xf32>
    %broadcast_in_dim3A_18 = vector.broadcast %broadcast_in_dim3A_17 : vector<4x1xf32> to vector<4x128xf32>
    %swap3A = arith.constant 0 : index
    %swap3A_19 = arith.constant 0 : index
    %swap3A_20 = vector.load %arg3[%swap3A, %swap3A_19] : memref<4x128xf32, #tpu.memory_space<vmem>>, vector<4x128xf32>
    tpu.vector_store %arg3[%swap3A, %swap3A_19], %broadcast_in_dim3A_18 {strides = array<i32>} : memref<4x128xf32, #tpu.memory_space<vmem>>, vector<4x128xf32>,
    return
  }
  func.func @transform_0(%arg0: i32) -> (i32, i32) {
    %c0_i32 = arith.constant 0 : i32
    %c0_i32_0 = arith.constant 0 : i32
    %c0_i32_1 = arith.constant 0 : i32
    return %c0_i32, %c0_i32_0 : i32, i32
  }
  func.func @transform_1(%arg0: i32) -> (i32, i32) {
    %c0_i32 = arith.constant 0 : i32
    %c0_i32_0 = arith.constant 0 : i32
    %c0_i32_1 = arith.constant 0 : i32
    return %c0_i32, %c0_i32_0 : i32, i32
  }
  func.func @transform_2(%arg0: i32) -> (i32, i32) {
    %c0_i32 = arith.constant 0 : i32
    %c0_i32_0 = arith.constant 0 : i32
    %c0_i32_1 = arith.constant 0 : i32
    return %c0_i32, %c0_i32_0 : i32, i32
  }
}

module attributes {stable_mosaic.version = 14 : i64} {
  func.func @_ffn_body(%arg0: i32, %arg1: memref<3200x256xf32, #tpu.memory_space<vmem>>, %arg2: memref<256x128xbf16, #tpu.memory_space<vmem>>, %arg3: memref<256x1024xbf16, #tpu.memory_space<vmem>>, %arg4: memref<1x1024xbf16, #tpu.memory_space<vmem>>, %arg5: memref<1024x256xbf16, #tpu.memory_space<vmem>>, %arg6: memref<1x256xf32, #tpu.memory_space<vmem>>, %arg7: memref<3200x256xf32, #tpu.memory_space<vmem>>) attributes {dimension_semantics = [#tpu.dimension_semantics<arbitrary>], iteration_bounds = array<i64: 25>, scalar_prefetch = 0 : i64, scratch_operands = 0 : i64, tpu.core_type = #tpu.core_type<tc>, window_params = [{transform_indices = @transform_0, window_bounds = array<i64: 3200, 256>}, {pipeline_mode = #tpu.pipeline_mode<synchronous>, transform_indices = @transform_1, window_bounds = array<i64: 256, 128>}, {pipeline_mode = #tpu.pipeline_mode<synchronous>, transform_indices = @transform_2, window_bounds = array<i64: 256, 1024>}, {pipeline_mode = #tpu.pipeline_mode<synchronous>, transform_indices = @transform_3, window_bounds = array<i64: 1, 1024>}, {pipeline_mode = #tpu.pipeline_mode<synchronous>, transform_indices = @transform_4, window_bounds = array<i64: 1024, 256>}, {pipeline_mode = #tpu.pipeline_mode<synchronous>, transform_indices = @transform_5, window_bounds = array<i64: 1, 256>}, {transform_indices = @transform_6, window_bounds = array<i64: 3200, 256>}]} {
    %get3A = arith.constant 0 : index
    %get3A_0 = arith.constant 0 : index
    %get3A_1 = vector.load %arg1[%get3A, %get3A_0] : memref<3200x256xf32, #tpu.memory_space<vmem>>, vector<3200x256xf32>
    %reduce_sum3A = arith.constant dense<0.000000e+00> : vector<3200xf32>
    %reduce_sum3A_2 = vector.multi_reduction <add>, %get3A_1, %reduce_sum3A [1] : vector<3200x256xf32> to vector<3200xf32>
    %broadcast_in_dim3A = vector.shape_cast %reduce_sum3A_2 : vector<3200xf32> to vector<3200x1xf32>
    %div3A = arith.constant 2.560000e+02 : f32
    %div3A_3 = vector.broadcast %div3A : f32 to vector<3200x1xf32>
    %div3A_4 = arith.divf %broadcast_in_dim3A, %div3A_3 : vector<3200x1xf32>
    %sub3A = vector.broadcast %div3A_4 : vector<3200x1xf32> to vector<3200x256xf32>
    %sub3A_5 = arith.subf %get3A_1, %sub3A : vector<3200x256xf32>
    %mul3A = arith.mulf %sub3A_5, %sub3A_5 : vector<3200x256xf32>
    %reduce_sum3A_6 = arith.constant dense<0.000000e+00> : vector<3200xf32>
    %reduce_sum3A_7 = vector.multi_reduction <add>, %mul3A, %reduce_sum3A_6 [1] : vector<3200x256xf32> to vector<3200xf32>
    %broadcast_in_dim3A_8 = vector.shape_cast %reduce_sum3A_7 : vector<3200xf32> to vector<3200x1xf32>
    %div3A_9 = arith.constant 2.560000e+02 : f32
    %div3A_10 = vector.broadcast %div3A_9 : f32 to vector<3200x1xf32>
    %div3A_11 = arith.divf %broadcast_in_dim3A_8, %div3A_10 : vector<3200x1xf32>
    %add3A = arith.constant 9.99999974E-6 : f32
    %add3A_12 = vector.broadcast %add3A : f32 to vector<3200x1xf32>
    %add3A_13 = arith.addf %div3A_11, %add3A_12 : vector<3200x1xf32>
    %rsqrt3A = math.rsqrt %add3A_13 : vector<3200x1xf32>
    %mul3A_14 = vector.broadcast %rsqrt3A : vector<3200x1xf32> to vector<3200x256xf32>
    %mul3A_15 = arith.mulf %sub3A_5, %mul3A_14 : vector<3200x256xf32>
    %convert_element_type3A = arith.truncf %mul3A_15 : vector<3200x256xf32> to vector<3200x256xbf16>
    %get3A_16 = arith.constant 0 : index
    %get3A_17 = arith.constant 0 : index
    %get3A_18 = vector.load %arg3[%get3A_16, %get3A_17] : memref<256x1024xbf16, #tpu.memory_space<vmem>>, vector<256x1024xbf16>
    %dot_general3A = arith.constant dense<0.000000e+00> : vector<3200x1024xf32>
    %dot_general3A_19 = tpu.matmul %convert_element_type3A, %get3A_18, %dot_general3A {dimension_numbers = #tpu.dot_dimension_numbers<[1], [0], [0], [1], [0, 0, 1, 1], [], []>, transpose_lhs_hint = false} : vector<3200x256xbf16>, vector<256x1024xbf16>, vector<3200x1024xf32> -> vector<3200x1024xf32>
    %convert_element_type3A_20 = arith.truncf %dot_general3A_19 : vector<3200x1024xf32> to vector<3200x1024xbf16>
    %get3A_21 = arith.constant 0 : index
    %get3A_22 = arith.constant 0 : index
    %get3A_23 = vector.load %arg4[%get3A_21, %get3A_22] : memref<1x1024xbf16, #tpu.memory_space<vmem>>, vector<1x1024xbf16>
    %add3A_24 = vector.broadcast %get3A_23 : vector<1x1024xbf16> to vector<3200x1024xbf16>
    %add3A_25 = arith.addf %convert_element_type3A_20, %add3A_24 : vector<3200x1024xbf16>
    %mul3A_26 = arith.mulf %add3A_25, %add3A_25 : vector<3200x1024xbf16>
    %mul3A_27 = arith.constant -7.128900e-02 : bf16
    %mul3A_28 = vector.broadcast %mul3A_27 : bf16 to vector<3200x1024xbf16>
    %mul3A_29 = arith.mulf %mul3A_28, %mul3A_26 : vector<3200x1024xbf16>
    %add3A_30 = arith.constant -1.593750e+00 : bf16
    %add3A_31 = vector.broadcast %add3A_30 : bf16 to vector<3200x1024xbf16>
    %add3A_32 = arith.addf %add3A_31, %mul3A_29 : vector<3200x1024xbf16>
    %mul3A_33 = arith.mulf %add3A_25, %add3A_32 : vector<3200x1024xbf16>
    %exp3A = math.exp %mul3A_33 : vector<3200x1024xbf16>
    %add3A_34 = arith.constant 1.000000e+00 : bf16
    %add3A_35 = vector.broadcast %add3A_34 : bf16 to vector<3200x1024xbf16>
    %add3A_36 = arith.addf %add3A_35, %exp3A : vector<3200x1024xbf16>
    %div3A_37 = arith.divf %add3A_25, %add3A_36 : vector<3200x1024xbf16>
    %get3A_38 = arith.constant 0 : index
    %get3A_39 = arith.constant 0 : index
    %get3A_40 = vector.load %arg5[%get3A_38, %get3A_39] : memref<1024x256xbf16, #tpu.memory_space<vmem>>, vector<1024x256xbf16>
    %dot_general3A_41 = arith.constant dense<0.000000e+00> : vector<3200x256xf32>
    %dot_general3A_42 = tpu.matmul %div3A_37, %get3A_40, %dot_general3A_41 {dimension_numbers = #tpu.dot_dimension_numbers<[1], [0], [0], [1], [0, 0, 1, 1], [], []>, transpose_lhs_hint = false} : vector<3200x1024xbf16>, vector<1024x256xbf16>, vector<3200x256xf32> -> vector<3200x256xf32>
    %add3A_43 = arith.addf %get3A_1, %dot_general3A_42 : vector<3200x256xf32>
    %get3A_44 = arith.constant 0 : index
    %get3A_45 = arith.constant 0 : index
    %get3A_46 = vector.load %arg6[%get3A_44, %get3A_45] : memref<1x256xf32, #tpu.memory_space<vmem>>, vector<1x256xf32>
    %add3A_47 = vector.broadcast %get3A_46 : vector<1x256xf32> to vector<3200x256xf32>
    %add3A_48 = arith.addf %add3A_43, %add3A_47 : vector<3200x256xf32>
    %swap3A = arith.constant 0 : index
    %swap3A_49 = arith.constant 0 : index
    %swap3A_50 = vector.load %arg7[%swap3A, %swap3A_49] : memref<3200x256xf32, #tpu.memory_space<vmem>>, vector<3200x256xf32>
    tpu.vector_store %arg7[%swap3A, %swap3A_49], %add3A_48 {strides = array<i32>} : memref<3200x256xf32, #tpu.memory_space<vmem>>, vector<3200x256xf32>,
    return
  }
  func.func @transform_0(%arg0: i32) -> (i32, i32) {
    %c0_i32 = arith.constant 0 : i32
    %c0_i32_0 = arith.constant 0 : i32
    return %arg0, %c0_i32 : i32, i32
  }
  func.func @transform_1(%arg0: i32) -> (i32, i32) {
    %c0_i32 = arith.constant 0 : i32
    %c0_i32_0 = arith.constant 0 : i32
    %c0_i32_1 = arith.constant 0 : i32
    return %c0_i32, %c0_i32_0 : i32, i32
  }
  func.func @transform_2(%arg0: i32) -> (i32, i32) {
    %c0_i32 = arith.constant 0 : i32
    %c0_i32_0 = arith.constant 0 : i32
    %c0_i32_1 = arith.constant 0 : i32
    return %c0_i32, %c0_i32_0 : i32, i32
  }
  func.func @transform_3(%arg0: i32) -> (i32, i32) {
    %c0_i32 = arith.constant 0 : i32
    %c0_i32_0 = arith.constant 0 : i32
    %c0_i32_1 = arith.constant 0 : i32
    return %c0_i32, %c0_i32_0 : i32, i32
  }
  func.func @transform_4(%arg0: i32) -> (i32, i32) {
    %c0_i32 = arith.constant 0 : i32
    %c0_i32_0 = arith.constant 0 : i32
    %c0_i32_1 = arith.constant 0 : i32
    return %c0_i32, %c0_i32_0 : i32, i32
  }
  func.func @transform_5(%arg0: i32) -> (i32, i32) {
    %c0_i32 = arith.constant 0 : i32
    %c0_i32_0 = arith.constant 0 : i32
    %c0_i32_1 = arith.constant 0 : i32
    return %c0_i32, %c0_i32_0 : i32, i32
  }
  func.func @transform_6(%arg0: i32) -> (i32, i32) {
    %c0_i32 = arith.constant 0 : i32
    %c0_i32_0 = arith.constant 0 : i32
    return %arg0, %c0_i32 : i32, i32
  }
}

module attributes {stable_mosaic.version = 14 : i64} {
  func.func @_attn_body(%arg0: i32, %arg1: memref<1x1000x256xf32, #tpu.memory_space<vmem>>, %arg2: memref<256x1024xbf16, #tpu.memory_space<vmem>>, %arg3: memref<256x1024xbf16, #tpu.memory_space<vmem>>, %arg4: memref<256x1024xbf16, #tpu.memory_space<vmem>>, %arg5: memref<1024x256xbf16, #tpu.memory_space<vmem>>, %arg6: memref<1x256xf32, #tpu.memory_space<vmem>>, %arg7: memref<1x256xf32, #tpu.memory_space<vmem>>, %arg8: memref<256x1024xbf16, #tpu.memory_space<vmem>>, %arg9: memref<1x1024xbf16, #tpu.memory_space<vmem>>, %arg10: memref<1024x256xbf16, #tpu.memory_space<vmem>>, %arg11: memref<1x256xf32, #tpu.memory_space<vmem>>, %arg12: memref<1x256xf32, #tpu.memory_space<vmem>>, %arg13: memref<1x256xf32, #tpu.memory_space<vmem>>, %arg14: memref<1x1000x256xf32, #tpu.memory_space<vmem>>) attributes {dimension_semantics = [#tpu.dimension_semantics<arbitrary>], iteration_bounds = array<i64: 4>, scalar_prefetch = 0 : i64, scratch_operands = 0 : i64, tpu.core_type = #tpu.core_type<tc>, window_params = [{transform_indices = @transform_0, window_bounds = array<i64: 1, 1000, 256>}, {pipeline_mode = #tpu.pipeline_mode<synchronous>, transform_indices = @transform_1, window_bounds = array<i64: 256, 1024>}, {pipeline_mode = #tpu.pipeline_mode<synchronous>, transform_indices = @transform_2, window_bounds = array<i64: 256, 1024>}, {pipeline_mode = #tpu.pipeline_mode<synchronous>, transform_indices = @transform_3, window_bounds = array<i64: 256, 1024>}, {pipeline_mode = #tpu.pipeline_mode<synchronous>, transform_indices = @transform_4, window_bounds = array<i64: 1024, 256>}, {pipeline_mode = #tpu.pipeline_mode<synchronous>, transform_indices = @transform_5, window_bounds = array<i64: 1, 256>}, {pipeline_mode = #tpu.pipeline_mode<synchronous>, transform_indices = @transform_6, window_bounds = array<i64: 1, 256>}, {pipeline_mode = #tpu.pipeline_mode<synchronous>, transform_indices = @transform_7, window_bounds = array<i64: 256, 1024>}, {pipeline_mode = #tpu.pipeline_mode<synchronous>, transform_indices = @transform_8, window_bounds = array<i64: 1, 1024>}, {pipeline_mode = #tpu.pipeline_mode<synchronous>, transform_indices = @transform_9, window_bounds = array<i64: 1024, 256>}, {pipeline_mode = #tpu.pipeline_mode<synchronous>, transform_indices = @transform_10, window_bounds = array<i64: 1, 256>}, {pipeline_mode = #tpu.pipeline_mode<synchronous>, transform_indices = @transform_11, window_bounds = array<i64: 1, 256>}, {pipeline_mode = #tpu.pipeline_mode<synchronous>, transform_indices = @transform_12, window_bounds = array<i64: 1, 256>}, {transform_indices = @transform_13, window_bounds = array<i64: 1, 1000, 256>}]} {
    %get3A = arith.constant 0 : index
    %get3A_0 = arith.constant 0 : index
    %get3A_1 = arith.constant 0 : index
    %get3A_2 = vector.load %arg1[%get3A, %get3A_0, %get3A_1] : memref<1x1000x256xf32, #tpu.memory_space<vmem>>, vector<1x1000x256xf32>
    %get3A_3 = vector.shape_cast %get3A_2 : vector<1x1000x256xf32> to vector<1000x256xf32>
    %get3A_4 = arith.constant 0 : index
    %get3A_5 = arith.constant 0 : index
    %get3A_6 = vector.load %arg6[%get3A_4, %get3A_5] : memref<1x256xf32, #tpu.memory_space<vmem>>, vector<1x256xf32>
    %get3A_7 = arith.constant 0 : index
    %get3A_8 = arith.constant 0 : index
    %get3A_9 = vector.load %arg7[%get3A_7, %get3A_8] : memref<1x256xf32, #tpu.memory_space<vmem>>, vector<1x256xf32>
    %reduce_sum3A = arith.constant dense<0.000000e+00> : vector<1000xf32>
    %reduce_sum3A_10 = vector.multi_reduction <add>, %get3A_3, %reduce_sum3A [1] : vector<1000x256xf32> to vector<1000xf32>
    %broadcast_in_dim3A = vector.shape_cast %reduce_sum3A_10 : vector<1000xf32> to vector<1000x1xf32>
    %div3A = arith.constant 2.560000e+02 : f32
    %div3A_11 = vector.broadcast %div3A : f32 to vector<1000x1xf32>
    %div3A_12 = arith.divf %broadcast_in_dim3A, %div3A_11 : vector<1000x1xf32>
    %sub3A = vector.broadcast %div3A_12 : vector<1000x1xf32> to vector<1000x256xf32>
    %sub3A_13 = arith.subf %get3A_3, %sub3A : vector<1000x256xf32>
    %mul3A = arith.mulf %sub3A_13, %sub3A_13 : vector<1000x256xf32>
    %reduce_sum3A_14 = arith.constant dense<0.000000e+00> : vector<1000xf32>
    %reduce_sum3A_15 = vector.multi_reduction <add>, %mul3A, %reduce_sum3A_14 [1] : vector<1000x256xf32> to vector<1000xf32>
    %broadcast_in_dim3A_16 = vector.shape_cast %reduce_sum3A_15 : vector<1000xf32> to vector<1000x1xf32>
    %div3A_17 = arith.constant 2.560000e+02 : f32
    %div3A_18 = vector.broadcast %div3A_17 : f32 to vector<1000x1xf32>
    %div3A_19 = arith.divf %broadcast_in_dim3A_16, %div3A_18 : vector<1000x1xf32>
    %add3A = arith.constant 9.99999974E-6 : f32
    %add3A_20 = vector.broadcast %add3A : f32 to vector<1000x1xf32>
    %add3A_21 = arith.addf %div3A_19, %add3A_20 : vector<1000x1xf32>
    %rsqrt3A = math.rsqrt %add3A_21 : vector<1000x1xf32>
    %mul3A_22 = vector.broadcast %rsqrt3A : vector<1000x1xf32> to vector<1000x256xf32>
    %mul3A_23 = arith.mulf %sub3A_13, %mul3A_22 : vector<1000x256xf32>
    %mul3A_24 = vector.broadcast %get3A_6 : vector<1x256xf32> to vector<1000x256xf32>
    %mul3A_25 = arith.mulf %mul3A_23, %mul3A_24 : vector<1000x256xf32>
    %add3A_26 = vector.broadcast %get3A_9 : vector<1x256xf32> to vector<1000x256xf32>
    %add3A_27 = arith.addf %mul3A_25, %add3A_26 : vector<1000x256xf32>
    %convert_element_type3A = arith.truncf %add3A_27 : vector<1000x256xf32> to vector<1000x256xbf16>
    %get3A_28 = arith.constant 0 : index
    %get3A_29 = arith.constant 0 : index
    %get3A_30 = vector.load %arg2[%get3A_28, %get3A_29] : memref<256x1024xbf16, #tpu.memory_space<vmem>>, vector<256x1024xbf16>
    %dot_general3A = arith.constant dense<0.000000e+00> : vector<1000x1024xf32>
    %dot_general3A_31 = tpu.matmul %convert_element_type3A, %get3A_30, %dot_general3A {dimension_numbers = #tpu.dot_dimension_numbers<[1], [0], [0], [1], [0, 0, 1, 1], [], []>, transpose_lhs_hint = false} : vector<1000x256xbf16>, vector<256x1024xbf16>, vector<1000x1024xf32> -> vector<1000x1024xf32>
    %get3A_32 = arith.constant 0 : index
    %get3A_33 = arith.constant 0 : index
    %get3A_34 = vector.load %arg3[%get3A_32, %get3A_33] : memref<256x1024xbf16, #tpu.memory_space<vmem>>, vector<256x1024xbf16>
    %dot_general3A_35 = arith.constant dense<0.000000e+00> : vector<1000x1024xf32>
    %dot_general3A_36 = tpu.matmul %convert_element_type3A, %get3A_34, %dot_general3A_35 {dimension_numbers = #tpu.dot_dimension_numbers<[1], [0], [0], [1], [0, 0, 1, 1], [], []>, transpose_lhs_hint = false} : vector<1000x256xbf16>, vector<256x1024xbf16>, vector<1000x1024xf32> -> vector<1000x1024xf32>
    %get3A_37 = arith.constant 0 : index
    %get3A_38 = arith.constant 0 : index
    %get3A_39 = vector.load %arg4[%get3A_37, %get3A_38] : memref<256x1024xbf16, #tpu.memory_space<vmem>>, vector<256x1024xbf16>
    %dot_general3A_40 = arith.constant dense<0.000000e+00> : vector<1000x1024xf32>
    %dot_general3A_41 = tpu.matmul %convert_element_type3A, %get3A_39, %dot_general3A_40 {dimension_numbers = #tpu.dot_dimension_numbers<[1], [0], [0], [1], [0, 0, 1, 1], [], []>, transpose_lhs_hint = false} : vector<1000x256xbf16>, vector<256x1024xbf16>, vector<1000x1024xf32> -> vector<1000x1024xf32>
    %convert_element_type3A_42 = arith.truncf %dot_general3A_31 : vector<1000x1024xf32> to vector<1000x1024xbf16>
    %convert_element_type3A_43 = arith.truncf %dot_general3A_36 : vector<1000x1024xf32> to vector<1000x1024xbf16>
    %convert_element_type3A_44 = arith.truncf %dot_general3A_41 : vector<1000x1024xf32> to vector<1000x1024xbf16>
    %slice3A = vector.extract_strided_slice %convert_element_type3A_42 {offsets = [0, 0], sizes = [1000, 128], strides = [1, 1]} : vector<1000x1024xbf16> to vector<1000x128xbf16>
    %slice3A_45 = vector.extract_strided_slice %convert_element_type3A_43 {offsets = [0, 0], sizes = [1000, 128], strides = [1, 1]} : vector<1000x1024xbf16> to vector<1000x128xbf16>
    %dot_general3A_46 = arith.constant dense<0.000000e+00> : vector<1000x1000xf32>
    %dot_general3A_47 = tpu.matmul %slice3A, %slice3A_45, %dot_general3A_46 {dimension_numbers = #tpu.dot_dimension_numbers<[1], [1], [0], [0], [0, 0, 1, 0], [], []>, transpose_lhs_hint = false} : vector<1000x128xbf16>, vector<1000x128xbf16>, vector<1000x1000xf32> -> vector<1000x1000xf32>
    %convert_element_type3A_48 = arith.truncf %dot_general3A_47 : vector<1000x1000xf32> to vector<1000x1000xbf16>
    %reduce_max3A = arith.constant dense<0xFF80> : vector<1000xbf16>
    %reduce_max3A_49 = vector.multi_reduction <maximumf>, %convert_element_type3A_48, %reduce_max3A [1] : vector<1000x1000xbf16> to vector<1000xbf16>
    %broadcast_in_dim3A_50 = vector.shape_cast %reduce_max3A_49 : vector<1000xbf16> to vector<1000x1xbf16>
    %sub3A_51 = vector.broadcast %broadcast_in_dim3A_50 : vector<1000x1xbf16> to vector<1000x1000xbf16>
    %sub3A_52 = arith.subf %convert_element_type3A_48, %sub3A_51 : vector<1000x1000xbf16>
    %exp3A = math.exp %sub3A_52 : vector<1000x1000xbf16>
    %convert_element_type3A_53 = arith.extf %exp3A : vector<1000x1000xbf16> to vector<1000x1000xf32>
    %reduce_sum3A_54 = arith.constant dense<0.000000e+00> : vector<1000xf32>
    %reduce_sum3A_55 = vector.multi_reduction <add>, %convert_element_type3A_53, %reduce_sum3A_54 [1] : vector<1000x1000xf32> to vector<1000xf32>
    %broadcast_in_dim3A_56 = vector.shape_cast %reduce_sum3A_55 : vector<1000xf32> to vector<1000x1xf32>
    %div3A_57 = arith.constant 1.000000e+00 : f32
    %div3A_58 = vector.broadcast %div3A_57 : f32 to vector<1000x1xf32>
    %div3A_59 = arith.divf %div3A_58, %broadcast_in_dim3A_56 : vector<1000x1xf32>
    %slice3A_60 = vector.extract_strided_slice %convert_element_type3A_44 {offsets = [0, 0], sizes = [1000, 128], strides = [1, 1]} : vector<1000x1024xbf16> to vector<1000x128xbf16>
    %dot_general3A_61 = arith.constant dense<0.000000e+00> : vector<1000x128xf32>
    %dot_general3A_62 = tpu.matmul %exp3A, %slice3A_60, %dot_general3A_61 {dimension_numbers = #tpu.dot_dimension_numbers<[1], [0], [0], [1], [0, 0, 1, 1], [], []>, transpose_lhs_hint = false} : vector<1000x1000xbf16>, vector<1000x128xbf16>, vector<1000x128xf32> -> vector<1000x128xf32>
    %mul3A_63 = vector.broadcast %div3A_59 : vector<1000x1xf32> to vector<1000x128xf32>
    %mul3A_64 = arith.mulf %dot_general3A_62, %mul3A_63 : vector<1000x128xf32>
    %slice3A_65 = vector.extract_strided_slice %convert_element_type3A_42 {offsets = [0, 128], sizes = [1000, 128], strides = [1, 1]} : vector<1000x1024xbf16> to vector<1000x128xbf16>
    %slice3A_66 = vector.extract_strided_slice %convert_element_type3A_43 {offsets = [0, 128], sizes = [1000, 128], strides = [1, 1]} : vector<1000x1024xbf16> to vector<1000x128xbf16>
    %dot_general3A_67 = arith.constant dense<0.000000e+00> : vector<1000x1000xf32>
    %dot_general3A_68 = tpu.matmul %slice3A_65, %slice3A_66, %dot_general3A_67 {dimension_numbers = #tpu.dot_dimension_numbers<[1], [1], [0], [0], [0, 0, 1, 0], [], []>, transpose_lhs_hint = false} : vector<1000x128xbf16>, vector<1000x128xbf16>, vector<1000x1000xf32> -> vector<1000x1000xf32>
    %convert_element_type3A_69 = arith.truncf %dot_general3A_68 : vector<1000x1000xf32> to vector<1000x1000xbf16>
    %reduce_max3A_70 = arith.constant dense<0xFF80> : vector<1000xbf16>
    %reduce_max3A_71 = vector.multi_reduction <maximumf>, %convert_element_type3A_69, %reduce_max3A_70 [1] : vector<1000x1000xbf16> to vector<1000xbf16>
    %broadcast_in_dim3A_72 = vector.shape_cast %reduce_max3A_71 : vector<1000xbf16> to vector<1000x1xbf16>
    %sub3A_73 = vector.broadcast %broadcast_in_dim3A_72 : vector<1000x1xbf16> to vector<1000x1000xbf16>
    %sub3A_74 = arith.subf %convert_element_type3A_69, %sub3A_73 : vector<1000x1000xbf16>
    %exp3A_75 = math.exp %sub3A_74 : vector<1000x1000xbf16>
    %convert_element_type3A_76 = arith.extf %exp3A_75 : vector<1000x1000xbf16> to vector<1000x1000xf32>
    %reduce_sum3A_77 = arith.constant dense<0.000000e+00> : vector<1000xf32>
    %reduce_sum3A_78 = vector.multi_reduction <add>, %convert_element_type3A_76, %reduce_sum3A_77 [1] : vector<1000x1000xf32> to vector<1000xf32>
    %broadcast_in_dim3A_79 = vector.shape_cast %reduce_sum3A_78 : vector<1000xf32> to vector<1000x1xf32>
    %div3A_80 = arith.constant 1.000000e+00 : f32
    %div3A_81 = vector.broadcast %div3A_80 : f32 to vector<1000x1xf32>
    %div3A_82 = arith.divf %div3A_81, %broadcast_in_dim3A_79 : vector<1000x1xf32>
    %slice3A_83 = vector.extract_strided_slice %convert_element_type3A_44 {offsets = [0, 128], sizes = [1000, 128], strides = [1, 1]} : vector<1000x1024xbf16> to vector<1000x128xbf16>
    %dot_general3A_84 = arith.constant dense<0.000000e+00> : vector<1000x128xf32>
    %dot_general3A_85 = tpu.matmul %exp3A_75, %slice3A_83, %dot_general3A_84 {dimension_numbers = #tpu.dot_dimension_numbers<[1], [0], [0], [1], [0, 0, 1, 1], [], []>, transpose_lhs_hint = false} : vector<1000x1000xbf16>, vector<1000x128xbf16>, vector<1000x128xf32> -> vector<1000x128xf32>
    %mul3A_86 = vector.broadcast %div3A_82 : vector<1000x1xf32> to vector<1000x128xf32>
    %mul3A_87 = arith.mulf %dot_general3A_85, %mul3A_86 : vector<1000x128xf32>
    %slice3A_88 = vector.extract_strided_slice %convert_element_type3A_42 {offsets = [0, 256], sizes = [1000, 128], strides = [1, 1]} : vector<1000x1024xbf16> to vector<1000x128xbf16>
    %slice3A_89 = vector.extract_strided_slice %convert_element_type3A_43 {offsets = [0, 256], sizes = [1000, 128], strides = [1, 1]} : vector<1000x1024xbf16> to vector<1000x128xbf16>
    %dot_general3A_90 = arith.constant dense<0.000000e+00> : vector<1000x1000xf32>
    %dot_general3A_91 = tpu.matmul %slice3A_88, %slice3A_89, %dot_general3A_90 {dimension_numbers = #tpu.dot_dimension_numbers<[1], [1], [0], [0], [0, 0, 1, 0], [], []>, transpose_lhs_hint = false} : vector<1000x128xbf16>, vector<1000x128xbf16>, vector<1000x1000xf32> -> vector<1000x1000xf32>
    %convert_element_type3A_92 = arith.truncf %dot_general3A_91 : vector<1000x1000xf32> to vector<1000x1000xbf16>
    %reduce_max3A_93 = arith.constant dense<0xFF80> : vector<1000xbf16>
    %reduce_max3A_94 = vector.multi_reduction <maximumf>, %convert_element_type3A_92, %reduce_max3A_93 [1] : vector<1000x1000xbf16> to vector<1000xbf16>
    %broadcast_in_dim3A_95 = vector.shape_cast %reduce_max3A_94 : vector<1000xbf16> to vector<1000x1xbf16>
    %sub3A_96 = vector.broadcast %broadcast_in_dim3A_95 : vector<1000x1xbf16> to vector<1000x1000xbf16>
    %sub3A_97 = arith.subf %convert_element_type3A_92, %sub3A_96 : vector<1000x1000xbf16>
    %exp3A_98 = math.exp %sub3A_97 : vector<1000x1000xbf16>
    %convert_element_type3A_99 = arith.extf %exp3A_98 : vector<1000x1000xbf16> to vector<1000x1000xf32>
    %reduce_sum3A_100 = arith.constant dense<0.000000e+00> : vector<1000xf32>
    %reduce_sum3A_101 = vector.multi_reduction <add>, %convert_element_type3A_99, %reduce_sum3A_100 [1] : vector<1000x1000xf32> to vector<1000xf32>
    %broadcast_in_dim3A_102 = vector.shape_cast %reduce_sum3A_101 : vector<1000xf32> to vector<1000x1xf32>
    %div3A_103 = arith.constant 1.000000e+00 : f32
    %div3A_104 = vector.broadcast %div3A_103 : f32 to vector<1000x1xf32>
    %div3A_105 = arith.divf %div3A_104, %broadcast_in_dim3A_102 : vector<1000x1xf32>
    %slice3A_106 = vector.extract_strided_slice %convert_element_type3A_44 {offsets = [0, 256], sizes = [1000, 128], strides = [1, 1]} : vector<1000x1024xbf16> to vector<1000x128xbf16>
    %dot_general3A_107 = arith.constant dense<0.000000e+00> : vector<1000x128xf32>
    %dot_general3A_108 = tpu.matmul %exp3A_98, %slice3A_106, %dot_general3A_107 {dimension_numbers = #tpu.dot_dimension_numbers<[1], [0], [0], [1], [0, 0, 1, 1], [], []>, transpose_lhs_hint = false} : vector<1000x1000xbf16>, vector<1000x128xbf16>, vector<1000x128xf32> -> vector<1000x128xf32>
    %mul3A_109 = vector.broadcast %div3A_105 : vector<1000x1xf32> to vector<1000x128xf32>
    %mul3A_110 = arith.mulf %dot_general3A_108, %mul3A_109 : vector<1000x128xf32>
    %slice3A_111 = vector.extract_strided_slice %convert_element_type3A_42 {offsets = [0, 384], sizes = [1000, 128], strides = [1, 1]} : vector<1000x1024xbf16> to vector<1000x128xbf16>
    %slice3A_112 = vector.extract_strided_slice %convert_element_type3A_43 {offsets = [0, 384], sizes = [1000, 128], strides = [1, 1]} : vector<1000x1024xbf16> to vector<1000x128xbf16>
    %dot_general3A_113 = arith.constant dense<0.000000e+00> : vector<1000x1000xf32>
    %dot_general3A_114 = tpu.matmul %slice3A_111, %slice3A_112, %dot_general3A_113 {dimension_numbers = #tpu.dot_dimension_numbers<[1], [1], [0], [0], [0, 0, 1, 0], [], []>, transpose_lhs_hint = false} : vector<1000x128xbf16>, vector<1000x128xbf16>, vector<1000x1000xf32> -> vector<1000x1000xf32>
    %convert_element_type3A_115 = arith.truncf %dot_general3A_114 : vector<1000x1000xf32> to vector<1000x1000xbf16>
    %reduce_max3A_116 = arith.constant dense<0xFF80> : vector<1000xbf16>
    %reduce_max3A_117 = vector.multi_reduction <maximumf>, %convert_element_type3A_115, %reduce_max3A_116 [1] : vector<1000x1000xbf16> to vector<1000xbf16>
    %broadcast_in_dim3A_118 = vector.shape_cast %reduce_max3A_117 : vector<1000xbf16> to vector<1000x1xbf16>
    %sub3A_119 = vector.broadcast %broadcast_in_dim3A_118 : vector<1000x1xbf16> to vector<1000x1000xbf16>
    %sub3A_120 = arith.subf %convert_element_type3A_115, %sub3A_119 : vector<1000x1000xbf16>
    %exp3A_121 = math.exp %sub3A_120 : vector<1000x1000xbf16>
    %convert_element_type3A_122 = arith.extf %exp3A_121 : vector<1000x1000xbf16> to vector<1000x1000xf32>
    %reduce_sum3A_123 = arith.constant dense<0.000000e+00> : vector<1000xf32>
    %reduce_sum3A_124 = vector.multi_reduction <add>, %convert_element_type3A_122, %reduce_sum3A_123 [1] : vector<1000x1000xf32> to vector<1000xf32>
    %broadcast_in_dim3A_125 = vector.shape_cast %reduce_sum3A_124 : vector<1000xf32> to vector<1000x1xf32>
    %div3A_126 = arith.constant 1.000000e+00 : f32
    %div3A_127 = vector.broadcast %div3A_126 : f32 to vector<1000x1xf32>
    %div3A_128 = arith.divf %div3A_127, %broadcast_in_dim3A_125 : vector<1000x1xf32>
    %slice3A_129 = vector.extract_strided_slice %convert_element_type3A_44 {offsets = [0, 384], sizes = [1000, 128], strides = [1, 1]} : vector<1000x1024xbf16> to vector<1000x128xbf16>
    %dot_general3A_130 = arith.constant dense<0.000000e+00> : vector<1000x128xf32>
    %dot_general3A_131 = tpu.matmul %exp3A_121, %slice3A_129, %dot_general3A_130 {dimension_numbers = #tpu.dot_dimension_numbers<[1], [0], [0], [1], [0, 0, 1, 1], [], []>, transpose_lhs_hint = false} : vector<1000x1000xbf16>, vector<1000x128xbf16>, vector<1000x128xf32> -> vector<1000x128xf32>
    %mul3A_132 = vector.broadcast %div3A_128 : vector<1000x1xf32> to vector<1000x128xf32>
    %mul3A_133 = arith.mulf %dot_general3A_131, %mul3A_132 : vector<1000x128xf32>
    %slice3A_134 = vector.extract_strided_slice %convert_element_type3A_42 {offsets = [0, 512], sizes = [1000, 128], strides = [1, 1]} : vector<1000x1024xbf16> to vector<1000x128xbf16>
    %slice3A_135 = vector.extract_strided_slice %convert_element_type3A_43 {offsets = [0, 512], sizes = [1000, 128], strides = [1, 1]} : vector<1000x1024xbf16> to vector<1000x128xbf16>
    %dot_general3A_136 = arith.constant dense<0.000000e+00> : vector<1000x1000xf32>
    %dot_general3A_137 = tpu.matmul %slice3A_134, %slice3A_135, %dot_general3A_136 {dimension_numbers = #tpu.dot_dimension_numbers<[1], [1], [0], [0], [0, 0, 1, 0], [], []>, transpose_lhs_hint = false} : vector<1000x128xbf16>, vector<1000x128xbf16>, vector<1000x1000xf32> -> vector<1000x1000xf32>
    %convert_element_type3A_138 = arith.truncf %dot_general3A_137 : vector<1000x1000xf32> to vector<1000x1000xbf16>
    %reduce_max3A_139 = arith.constant dense<0xFF80> : vector<1000xbf16>
    %reduce_max3A_140 = vector.multi_reduction <maximumf>, %convert_element_type3A_138, %reduce_max3A_139 [1] : vector<1000x1000xbf16> to vector<1000xbf16>
    %broadcast_in_dim3A_141 = vector.shape_cast %reduce_max3A_140 : vector<1000xbf16> to vector<1000x1xbf16>
    %sub3A_142 = vector.broadcast %broadcast_in_dim3A_141 : vector<1000x1xbf16> to vector<1000x1000xbf16>
    %sub3A_143 = arith.subf %convert_element_type3A_138, %sub3A_142 : vector<1000x1000xbf16>
    %exp3A_144 = math.exp %sub3A_143 : vector<1000x1000xbf16>
    %convert_element_type3A_145 = arith.extf %exp3A_144 : vector<1000x1000xbf16> to vector<1000x1000xf32>
    %reduce_sum3A_146 = arith.constant dense<0.000000e+00> : vector<1000xf32>
    %reduce_sum3A_147 = vector.multi_reduction <add>, %convert_element_type3A_145, %reduce_sum3A_146 [1] : vector<1000x1000xf32> to vector<1000xf32>
    %broadcast_in_dim3A_148 = vector.shape_cast %reduce_sum3A_147 : vector<1000xf32> to vector<1000x1xf32>
    %div3A_149 = arith.constant 1.000000e+00 : f32
    %div3A_150 = vector.broadcast %div3A_149 : f32 to vector<1000x1xf32>
    %div3A_151 = arith.divf %div3A_150, %broadcast_in_dim3A_148 : vector<1000x1xf32>
    %slice3A_152 = vector.extract_strided_slice %convert_element_type3A_44 {offsets = [0, 512], sizes = [1000, 128], strides = [1, 1]} : vector<1000x1024xbf16> to vector<1000x128xbf16>
    %dot_general3A_153 = arith.constant dense<0.000000e+00> : vector<1000x128xf32>
    %dot_general3A_154 = tpu.matmul %exp3A_144, %slice3A_152, %dot_general3A_153 {dimension_numbers = #tpu.dot_dimension_numbers<[1], [0], [0], [1], [0, 0, 1, 1], [], []>, transpose_lhs_hint = false} : vector<1000x1000xbf16>, vector<1000x128xbf16>, vector<1000x128xf32> -> vector<1000x128xf32>
    %mul3A_155 = vector.broadcast %div3A_151 : vector<1000x1xf32> to vector<1000x128xf32>
    %mul3A_156 = arith.mulf %dot_general3A_154, %mul3A_155 : vector<1000x128xf32>
    %slice3A_157 = vector.extract_strided_slice %convert_element_type3A_42 {offsets = [0, 640], sizes = [1000, 128], strides = [1, 1]} : vector<1000x1024xbf16> to vector<1000x128xbf16>
    %slice3A_158 = vector.extract_strided_slice %convert_element_type3A_43 {offsets = [0, 640], sizes = [1000, 128], strides = [1, 1]} : vector<1000x1024xbf16> to vector<1000x128xbf16>
    %dot_general3A_159 = arith.constant dense<0.000000e+00> : vector<1000x1000xf32>
    %dot_general3A_160 = tpu.matmul %slice3A_157, %slice3A_158, %dot_general3A_159 {dimension_numbers = #tpu.dot_dimension_numbers<[1], [1], [0], [0], [0, 0, 1, 0], [], []>, transpose_lhs_hint = false} : vector<1000x128xbf16>, vector<1000x128xbf16>, vector<1000x1000xf32> -> vector<1000x1000xf32>
    %convert_element_type3A_161 = arith.truncf %dot_general3A_160 : vector<1000x1000xf32> to vector<1000x1000xbf16>
    %reduce_max3A_162 = arith.constant dense<0xFF80> : vector<1000xbf16>
    %reduce_max3A_163 = vector.multi_reduction <maximumf>, %convert_element_type3A_161, %reduce_max3A_162 [1] : vector<1000x1000xbf16> to vector<1000xbf16>
    %broadcast_in_dim3A_164 = vector.shape_cast %reduce_max3A_163 : vector<1000xbf16> to vector<1000x1xbf16>
    %sub3A_165 = vector.broadcast %broadcast_in_dim3A_164 : vector<1000x1xbf16> to vector<1000x1000xbf16>
    %sub3A_166 = arith.subf %convert_element_type3A_161, %sub3A_165 : vector<1000x1000xbf16>
    %exp3A_167 = math.exp %sub3A_166 : vector<1000x1000xbf16>
    %convert_element_type3A_168 = arith.extf %exp3A_167 : vector<1000x1000xbf16> to vector<1000x1000xf32>
    %reduce_sum3A_169 = arith.constant dense<0.000000e+00> : vector<1000xf32>
    %reduce_sum3A_170 = vector.multi_reduction <add>, %convert_element_type3A_168, %reduce_sum3A_169 [1] : vector<1000x1000xf32> to vector<1000xf32>
    %broadcast_in_dim3A_171 = vector.shape_cast %reduce_sum3A_170 : vector<1000xf32> to vector<1000x1xf32>
    %div3A_172 = arith.constant 1.000000e+00 : f32
    %div3A_173 = vector.broadcast %div3A_172 : f32 to vector<1000x1xf32>
    %div3A_174 = arith.divf %div3A_173, %broadcast_in_dim3A_171 : vector<1000x1xf32>
    %slice3A_175 = vector.extract_strided_slice %convert_element_type3A_44 {offsets = [0, 640], sizes = [1000, 128], strides = [1, 1]} : vector<1000x1024xbf16> to vector<1000x128xbf16>
    %dot_general3A_176 = arith.constant dense<0.000000e+00> : vector<1000x128xf32>
    %dot_general3A_177 = tpu.matmul %exp3A_167, %slice3A_175, %dot_general3A_176 {dimension_numbers = #tpu.dot_dimension_numbers<[1], [0], [0], [1], [0, 0, 1, 1], [], []>, transpose_lhs_hint = false} : vector<1000x1000xbf16>, vector<1000x128xbf16>, vector<1000x128xf32> -> vector<1000x128xf32>
    %mul3A_178 = vector.broadcast %div3A_174 : vector<1000x1xf32> to vector<1000x128xf32>
    %mul3A_179 = arith.mulf %dot_general3A_177, %mul3A_178 : vector<1000x128xf32>
    %slice3A_180 = vector.extract_strided_slice %convert_element_type3A_42 {offsets = [0, 768], sizes = [1000, 128], strides = [1, 1]} : vector<1000x1024xbf16> to vector<1000x128xbf16>
    %slice3A_181 = vector.extract_strided_slice %convert_element_type3A_43 {offsets = [0, 768], sizes = [1000, 128], strides = [1, 1]} : vector<1000x1024xbf16> to vector<1000x128xbf16>
    %dot_general3A_182 = arith.constant dense<0.000000e+00> : vector<1000x1000xf32>
    %dot_general3A_183 = tpu.matmul %slice3A_180, %slice3A_181, %dot_general3A_182 {dimension_numbers = #tpu.dot_dimension_numbers<[1], [1], [0], [0], [0, 0, 1, 0], [], []>, transpose_lhs_hint = false} : vector<1000x128xbf16>, vector<1000x128xbf16>, vector<1000x1000xf32> -> vector<1000x1000xf32>
    %convert_element_type3A_184 = arith.truncf %dot_general3A_183 : vector<1000x1000xf32> to vector<1000x1000xbf16>
    %reduce_max3A_185 = arith.constant dense<0xFF80> : vector<1000xbf16>
    %reduce_max3A_186 = vector.multi_reduction <maximumf>, %convert_element_type3A_184, %reduce_max3A_185 [1] : vector<1000x1000xbf16> to vector<1000xbf16>
    %broadcast_in_dim3A_187 = vector.shape_cast %reduce_max3A_186 : vector<1000xbf16> to vector<1000x1xbf16>
    %sub3A_188 = vector.broadcast %broadcast_in_dim3A_187 : vector<1000x1xbf16> to vector<1000x1000xbf16>
    %sub3A_189 = arith.subf %convert_element_type3A_184, %sub3A_188 : vector<1000x1000xbf16>
    %exp3A_190 = math.exp %sub3A_189 : vector<1000x1000xbf16>
    %convert_element_type3A_191 = arith.extf %exp3A_190 : vector<1000x1000xbf16> to vector<1000x1000xf32>
    %reduce_sum3A_192 = arith.constant dense<0.000000e+00> : vector<1000xf32>
    %reduce_sum3A_193 = vector.multi_reduction <add>, %convert_element_type3A_191, %reduce_sum3A_192 [1] : vector<1000x1000xf32> to vector<1000xf32>
    %broadcast_in_dim3A_194 = vector.shape_cast %reduce_sum3A_193 : vector<1000xf32> to vector<1000x1xf32>
    %div3A_195 = arith.constant 1.000000e+00 : f32
    %div3A_196 = vector.broadcast %div3A_195 : f32 to vector<1000x1xf32>
    %div3A_197 = arith.divf %div3A_196, %broadcast_in_dim3A_194 : vector<1000x1xf32>
    %slice3A_198 = vector.extract_strided_slice %convert_element_type3A_44 {offsets = [0, 768], sizes = [1000, 128], strides = [1, 1]} : vector<1000x1024xbf16> to vector<1000x128xbf16>
    %dot_general3A_199 = arith.constant dense<0.000000e+00> : vector<1000x128xf32>
    %dot_general3A_200 = tpu.matmul %exp3A_190, %slice3A_198, %dot_general3A_199 {dimension_numbers = #tpu.dot_dimension_numbers<[1], [0], [0], [1], [0, 0, 1, 1], [], []>, transpose_lhs_hint = false} : vector<1000x1000xbf16>, vector<1000x128xbf16>, vector<1000x128xf32> -> vector<1000x128xf32>
    %mul3A_201 = vector.broadcast %div3A_197 : vector<1000x1xf32> to vector<1000x128xf32>
    %mul3A_202 = arith.mulf %dot_general3A_200, %mul3A_201 : vector<1000x128xf32>
    %slice3A_203 = vector.extract_strided_slice %convert_element_type3A_42 {offsets = [0, 896], sizes = [1000, 128], strides = [1, 1]} : vector<1000x1024xbf16> to vector<1000x128xbf16>
    %slice3A_204 = vector.extract_strided_slice %convert_element_type3A_43 {offsets = [0, 896], sizes = [1000, 128], strides = [1, 1]} : vector<1000x1024xbf16> to vector<1000x128xbf16>
    %dot_general3A_205 = arith.constant dense<0.000000e+00> : vector<1000x1000xf32>
    %dot_general3A_206 = tpu.matmul %slice3A_203, %slice3A_204, %dot_general3A_205 {dimension_numbers = #tpu.dot_dimension_numbers<[1], [1], [0], [0], [0, 0, 1, 0], [], []>, transpose_lhs_hint = false} : vector<1000x128xbf16>, vector<1000x128xbf16>, vector<1000x1000xf32> -> vector<1000x1000xf32>
    %convert_element_type3A_207 = arith.truncf %dot_general3A_206 : vector<1000x1000xf32> to vector<1000x1000xbf16>
    %reduce_max3A_208 = arith.constant dense<0xFF80> : vector<1000xbf16>
    %reduce_max3A_209 = vector.multi_reduction <maximumf>, %convert_element_type3A_207, %reduce_max3A_208 [1] : vector<1000x1000xbf16> to vector<1000xbf16>
    %broadcast_in_dim3A_210 = vector.shape_cast %reduce_max3A_209 : vector<1000xbf16> to vector<1000x1xbf16>
    %sub3A_211 = vector.broadcast %broadcast_in_dim3A_210 : vector<1000x1xbf16> to vector<1000x1000xbf16>
    %sub3A_212 = arith.subf %convert_element_type3A_207, %sub3A_211 : vector<1000x1000xbf16>
    %exp3A_213 = math.exp %sub3A_212 : vector<1000x1000xbf16>
    %convert_element_type3A_214 = arith.extf %exp3A_213 : vector<1000x1000xbf16> to vector<1000x1000xf32>
    %reduce_sum3A_215 = arith.constant dense<0.000000e+00> : vector<1000xf32>
    %reduce_sum3A_216 = vector.multi_reduction <add>, %convert_element_type3A_214, %reduce_sum3A_215 [1] : vector<1000x1000xf32> to vector<1000xf32>
    %broadcast_in_dim3A_217 = vector.shape_cast %reduce_sum3A_216 : vector<1000xf32> to vector<1000x1xf32>
    %div3A_218 = arith.constant 1.000000e+00 : f32
    %div3A_219 = vector.broadcast %div3A_218 : f32 to vector<1000x1xf32>
    %div3A_220 = arith.divf %div3A_219, %broadcast_in_dim3A_217 : vector<1000x1xf32>
    %slice3A_221 = vector.extract_strided_slice %convert_element_type3A_44 {offsets = [0, 896], sizes = [1000, 128], strides = [1, 1]} : vector<1000x1024xbf16> to vector<1000x128xbf16>
    %dot_general3A_222 = arith.constant dense<0.000000e+00> : vector<1000x128xf32>
    %dot_general3A_223 = tpu.matmul %exp3A_213, %slice3A_221, %dot_general3A_222 {dimension_numbers = #tpu.dot_dimension_numbers<[1], [0], [0], [1], [0, 0, 1, 1], [], []>, transpose_lhs_hint = false} : vector<1000x1000xbf16>, vector<1000x128xbf16>, vector<1000x128xf32> -> vector<1000x128xf32>
    %mul3A_224 = vector.broadcast %div3A_220 : vector<1000x1xf32> to vector<1000x128xf32>
    %mul3A_225 = arith.mulf %dot_general3A_223, %mul3A_224 : vector<1000x128xf32>
    %concatenate3A = tpu.concatenate %mul3A_64, %mul3A_87, %mul3A_110, %mul3A_133, %mul3A_156, %mul3A_179, %mul3A_202, %mul3A_225 in 1 : vector<1000x128xf32>, vector<1000x128xf32>, vector<1000x128xf32>, vector<1000x128xf32>, vector<1000x128xf32>, vector<1000x128xf32>, vector<1000x128xf32>, vector<1000x128xf32> -> vector<1000x1024xf32>
    %convert_element_type3A_226 = arith.truncf %concatenate3A : vector<1000x1024xf32> to vector<1000x1024xbf16>
    %get3A_227 = arith.constant 0 : index
    %get3A_228 = arith.constant 0 : index
    %get3A_229 = vector.load %arg5[%get3A_227, %get3A_228] : memref<1024x256xbf16, #tpu.memory_space<vmem>>, vector<1024x256xbf16>
    %dot_general3A_230 = arith.constant dense<0.000000e+00> : vector<1000x256xf32>
    %dot_general3A_231 = tpu.matmul %convert_element_type3A_226, %get3A_229, %dot_general3A_230 {dimension_numbers = #tpu.dot_dimension_numbers<[1], [0], [0], [1], [0, 0, 1, 1], [], []>, transpose_lhs_hint = false} : vector<1000x1024xbf16>, vector<1024x256xbf16>, vector<1000x256xf32> -> vector<1000x256xf32>
    %add3A_232 = arith.addf %get3A_3, %dot_general3A_231 : vector<1000x256xf32>
    %get3A_233 = arith.constant 0 : index
    %get3A_234 = arith.constant 0 : index
    %get3A_235 = vector.load %arg12[%get3A_233, %get3A_234] : memref<1x256xf32, #tpu.memory_space<vmem>>, vector<1x256xf32>
    %get3A_236 = arith.constant 0 : index
    %get3A_237 = arith.constant 0 : index
    %get3A_238 = vector.load %arg13[%get3A_236, %get3A_237] : memref<1x256xf32, #tpu.memory_space<vmem>>, vector<1x256xf32>
    %reduce_sum3A_239 = arith.constant dense<0.000000e+00> : vector<1000xf32>
    %reduce_sum3A_240 = vector.multi_reduction <add>, %add3A_232, %reduce_sum3A_239 [1] : vector<1000x256xf32> to vector<1000xf32>
    %broadcast_in_dim3A_241 = vector.shape_cast %reduce_sum3A_240 : vector<1000xf32> to vector<1000x1xf32>
    %div3A_242 = arith.constant 2.560000e+02 : f32
    %div3A_243 = vector.broadcast %div3A_242 : f32 to vector<1000x1xf32>
    %div3A_244 = arith.divf %broadcast_in_dim3A_241, %div3A_243 : vector<1000x1xf32>
    %sub3A_245 = vector.broadcast %div3A_244 : vector<1000x1xf32> to vector<1000x256xf32>
    %sub3A_246 = arith.subf %add3A_232, %sub3A_245 : vector<1000x256xf32>
    %mul3A_247 = arith.mulf %sub3A_246, %sub3A_246 : vector<1000x256xf32>
    %reduce_sum3A_248 = arith.constant dense<0.000000e+00> : vector<1000xf32>
    %reduce_sum3A_249 = vector.multi_reduction <add>, %mul3A_247, %reduce_sum3A_248 [1] : vector<1000x256xf32> to vector<1000xf32>
    %broadcast_in_dim3A_250 = vector.shape_cast %reduce_sum3A_249 : vector<1000xf32> to vector<1000x1xf32>
    %div3A_251 = arith.constant 2.560000e+02 : f32
    %div3A_252 = vector.broadcast %div3A_251 : f32 to vector<1000x1xf32>
    %div3A_253 = arith.divf %broadcast_in_dim3A_250, %div3A_252 : vector<1000x1xf32>
    %add3A_254 = arith.constant 9.99999974E-6 : f32
    %add3A_255 = vector.broadcast %add3A_254 : f32 to vector<1000x1xf32>
    %add3A_256 = arith.addf %div3A_253, %add3A_255 : vector<1000x1xf32>
    %rsqrt3A_257 = math.rsqrt %add3A_256 : vector<1000x1xf32>
    %mul3A_258 = vector.broadcast %rsqrt3A_257 : vector<1000x1xf32> to vector<1000x256xf32>
    %mul3A_259 = arith.mulf %sub3A_246, %mul3A_258 : vector<1000x256xf32>
    %mul3A_260 = vector.broadcast %get3A_235 : vector<1x256xf32> to vector<1000x256xf32>
    %mul3A_261 = arith.mulf %mul3A_259, %mul3A_260 : vector<1000x256xf32>
    %add3A_262 = vector.broadcast %get3A_238 : vector<1x256xf32> to vector<1000x256xf32>
    %add3A_263 = arith.addf %mul3A_261, %add3A_262 : vector<1000x256xf32>
    %convert_element_type3A_264 = arith.truncf %add3A_263 : vector<1000x256xf32> to vector<1000x256xbf16>
    %get3A_265 = arith.constant 0 : index
    %get3A_266 = arith.constant 0 : index
    %get3A_267 = vector.load %arg8[%get3A_265, %get3A_266] : memref<256x1024xbf16, #tpu.memory_space<vmem>>, vector<256x1024xbf16>
    %dot_general3A_268 = arith.constant dense<0.000000e+00> : vector<1000x1024xf32>
    %dot_general3A_269 = tpu.matmul %convert_element_type3A_264, %get3A_267, %dot_general3A_268 {dimension_numbers = #tpu.dot_dimension_numbers<[1], [0], [0], [1], [0, 0, 1, 1], [], []>, transpose_lhs_hint = false} : vector<1000x256xbf16>, vector<256x1024xbf16>, vector<1000x1024xf32> -> vector<1000x1024xf32>
    %convert_element_type3A_270 = arith.truncf %dot_general3A_269 : vector<1000x1024xf32> to vector<1000x1024xbf16>
    %get3A_271 = arith.constant 0 : index
    %get3A_272 = arith.constant 0 : index
    %get3A_273 = vector.load %arg9[%get3A_271, %get3A_272] : memref<1x1024xbf16, #tpu.memory_space<vmem>>, vector<1x1024xbf16>
    %add3A_274 = vector.broadcast %get3A_273 : vector<1x1024xbf16> to vector<1000x1024xbf16>
    %add3A_275 = arith.addf %convert_element_type3A_270, %add3A_274 : vector<1000x1024xbf16>
    %mul3A_276 = arith.mulf %add3A_275, %add3A_275 : vector<1000x1024xbf16>
    %mul3A_277 = arith.constant -7.128900e-02 : bf16
    %mul3A_278 = vector.broadcast %mul3A_277 : bf16 to vector<1000x1024xbf16>
    %mul3A_279 = arith.mulf %mul3A_278, %mul3A_276 : vector<1000x1024xbf16>
    %add3A_280 = arith.constant -1.593750e+00 : bf16
    %add3A_281 = vector.broadcast %add3A_280 : bf16 to vector<1000x1024xbf16>
    %add3A_282 = arith.addf %add3A_281, %mul3A_279 : vector<1000x1024xbf16>
    %mul3A_283 = arith.mulf %add3A_275, %add3A_282 : vector<1000x1024xbf16>
    %exp3A_284 = math.exp %mul3A_283 : vector<1000x1024xbf16>
    %add3A_285 = arith.constant 1.000000e+00 : bf16
    %add3A_286 = vector.broadcast %add3A_285 : bf16 to vector<1000x1024xbf16>
    %add3A_287 = arith.addf %add3A_286, %exp3A_284 : vector<1000x1024xbf16>
    %div3A_288 = arith.divf %add3A_275, %add3A_287 : vector<1000x1024xbf16>
    %get3A_289 = arith.constant 0 : index
    %get3A_290 = arith.constant 0 : index
    %get3A_291 = vector.load %arg10[%get3A_289, %get3A_290] : memref<1024x256xbf16, #tpu.memory_space<vmem>>, vector<1024x256xbf16>
    %dot_general3A_292 = arith.constant dense<0.000000e+00> : vector<1000x256xf32>
    %dot_general3A_293 = tpu.matmul %div3A_288, %get3A_291, %dot_general3A_292 {dimension_numbers = #tpu.dot_dimension_numbers<[1], [0], [0], [1], [0, 0, 1, 1], [], []>, transpose_lhs_hint = false} : vector<1000x1024xbf16>, vector<1024x256xbf16>, vector<1000x256xf32> -> vector<1000x256xf32>
    %add3A_294 = arith.addf %add3A_232, %dot_general3A_293 : vector<1000x256xf32>
    %get3A_295 = arith.constant 0 : index
    %get3A_296 = arith.constant 0 : index
    %get3A_297 = vector.load %arg11[%get3A_295, %get3A_296] : memref<1x256xf32, #tpu.memory_space<vmem>>, vector<1x256xf32>
    %add3A_298 = vector.broadcast %get3A_297 : vector<1x256xf32> to vector<1000x256xf32>
    %add3A_299 = arith.addf %add3A_294, %add3A_298 : vector<1000x256xf32>
    %swap3A = arith.constant 0 : index
    %swap3A_300 = arith.constant 0 : index
    %swap3A_301 = arith.constant 0 : index
    %swap3A_302 = vector.load %arg14[%swap3A, %swap3A_300, %swap3A_301] : memref<1x1000x256xf32, #tpu.memory_space<vmem>>, vector<1x1000x256xf32>
    %swap3A_303 = vector.shape_cast %swap3A_302 : vector<1x1000x256xf32> to vector<1000x256xf32>
    %swap3A_304 = vector.shape_cast %add3A_299 : vector<1000x256xf32> to vector<1x1000x256xf32>
    tpu.vector_store %arg14[%swap3A, %swap3A_300, %swap3A_301], %swap3A_304 {strides = array<i32>} : memref<1x1000x256xf32, #tpu.memory_space<vmem>>, vector<1x1000x256xf32>,
    return
  }
  func.func @transform_0(%arg0: i32) -> (i32, i32, i32) {
    %c0_i32 = arith.constant 0 : i32
    %c0_i32_0 = arith.constant 0 : i32
    %c0_i32_1 = arith.constant 0 : i32
    return %arg0, %c0_i32, %c0_i32_0 : i32, i32, i32
  }
  func.func @transform_1(%arg0: i32) -> (i32, i32) {
    %c0_i32 = arith.constant 0 : i32
    %c0_i32_0 = arith.constant 0 : i32
    %c0_i32_1 = arith.constant 0 : i32
    return %c0_i32, %c0_i32_0 : i32, i32
  }
  func.func @transform_2(%arg0: i32) -> (i32, i32) {
    %c0_i32 = arith.constant 0 : i32
    %c0_i32_0 = arith.constant 0 : i32
    %c0_i32_1 = arith.constant 0 : i32
    return %c0_i32, %c0_i32_0 : i32, i32
  }
  func.func @transform_3(%arg0: i32) -> (i32, i32) {
    %c0_i32 = arith.constant 0 : i32
    %c0_i32_0 = arith.constant 0 : i32
    %c0_i32_1 = arith.constant 0 : i32
    return %c0_i32, %c0_i32_0 : i32, i32
  }
  func.func @transform_4(%arg0: i32) -> (i32, i32) {
    %c0_i32 = arith.constant 0 : i32
    %c0_i32_0 = arith.constant 0 : i32
    %c0_i32_1 = arith.constant 0 : i32
    return %c0_i32, %c0_i32_0 : i32, i32
  }
  func.func @transform_5(%arg0: i32) -> (i32, i32) {
    %c0_i32 = arith.constant 0 : i32
    %c0_i32_0 = arith.constant 0 : i32
    %c0_i32_1 = arith.constant 0 : i32
    return %c0_i32, %c0_i32_0 : i32, i32
  }
  func.func @transform_6(%arg0: i32) -> (i32, i32) {
    %c0_i32 = arith.constant 0 : i32
    %c0_i32_0 = arith.constant 0 : i32
    %c0_i32_1 = arith.constant 0 : i32
    return %c0_i32, %c0_i32_0 : i32, i32
  }
  func.func @transform_7(%arg0: i32) -> (i32, i32) {
    %c0_i32 = arith.constant 0 : i32
    %c0_i32_0 = arith.constant 0 : i32
    %c0_i32_1 = arith.constant 0 : i32
    return %c0_i32, %c0_i32_0 : i32, i32
  }
  func.func @transform_8(%arg0: i32) -> (i32, i32) {
    %c0_i32 = arith.constant 0 : i32
    %c0_i32_0 = arith.constant 0 : i32
    %c0_i32_1 = arith.constant 0 : i32
    return %c0_i32, %c0_i32_0 : i32, i32
  }
  func.func @transform_9(%arg0: i32) -> (i32, i32) {
    %c0_i32 = arith.constant 0 : i32
    %c0_i32_0 = arith.constant 0 : i32
    %c0_i32_1 = arith.constant 0 : i32
    return %c0_i32, %c0_i32_0 : i32, i32
  }
  func.func @transform_10(%arg0: i32) -> (i32, i32) {
    %c0_i32 = arith.constant 0 : i32
    %c0_i32_0 = arith.constant 0 : i32
    %c0_i32_1 = arith.constant 0 : i32
    return %c0_i32, %c0_i32_0 : i32, i32
  }
  func.func @transform_11(%arg0: i32) -> (i32, i32) {
    %c0_i32 = arith.constant 0 : i32
    %c0_i32_0 = arith.constant 0 : i32
    %c0_i32_1 = arith.constant 0 : i32
    return %c0_i32, %c0_i32_0 : i32, i32
  }
  func.func @transform_12(%arg0: i32) -> (i32, i32) {
    %c0_i32 = arith.constant 0 : i32
    %c0_i32_0 = arith.constant 0 : i32
    %c0_i32_1 = arith.constant 0 : i32
    return %c0_i32, %c0_i32_0 : i32, i32
  }
  func.func @transform_13(%arg0: i32) -> (i32, i32, i32) {
    %c0_i32 = arith.constant 0 : i32
    %c0_i32_0 = arith.constant 0 : i32
    %c0_i32_1 = arith.constant 0 : i32
    return %arg0, %c0_i32, %c0_i32_0 : i32, i32, i32
  }
}

</mosaic_0001>

<sc_bundles>
// kernel: kernel.11.cloned.1.call-start
scs
__scs_entry_jumppad:
0x0: {  	(pc) =	sbr.rel $0x88, $3  }
0x1: {  	(tag) =	ssettag $0x0;
	lr =	simm.s32 $0x1  }
0x2: {  	[smem:$0x3F94] =	sst lr;
	_ =	strace $0xD0000000  }
0x3: {  	_ = 	snop  }
0x4: {  	_ = 	snop  }
0x5: {  	_ = 	snop  }
0x6: {  	_ = 	snop  }
0x7: {  	_ = 	snop  }
__scs_overlays_trampoline_lowered:
0x8: {  	[smem:$0x3FA3] =	sst s0  }
0x9: {  	[smem:$0x3FA4] =	sst s1  }
0xa: {  	[smem:$0x3FA5] =	sst s2  }
0xb: {  	[smem:$0x3FA6] =	sst s3  }
0xc: {  	[smem:$0x3FA7] =	sst s4  }
0xd: {  	[smem:$0x3FA8] =	sst s5  }
0xe: {  	[smem:$0x3FA9] =	sst s6  }
0xf: {  	[smem:$0x3FAA] =	sst s7  }
0x10: {  	[smem:$0x3FAB] =	sst s8  }
0x11: {  	[smem:$0x3FAC] =	sst s9;
	s0 =	simm.s32 @!p0 $0x0  }
0x12: {  	s1 =	sld [smem:$0x3F92];
	s0 =	simm.s32 @p0 $0x1  }
0x13: {  	[smem:$0x3FAD] =	sst s0;
	s0 =	simm.s32 @!p1 $0x0  }
0x14: {  	s2 =	sld [smem:$0x3F91];
	s0 =	simm.s32 @p1 $0x1  }
0x15: {  	[smem:$0x3FAE] =	sst s0;
	s0 =	simm.s32 @!p2 $0x0  }
0x16: {  	s3 =	sld [smem:$0x3FDB];
	s0 =	simm.s32 @p2 $0x1  }
0x17: {  	s4 =	simm.s32 $0x1BF5;
	[smem:$0x3FB0] =	sst s0  }
0x18: {  	s0 =	sld [smem:$0x3F93];
	_ =	swait.ge [sflag:s4], $0x0  }
0x19: {  	s7 =	sld [smem:$0x3F94]  }
0x1a: {  	s8 =	sadd.s32 $0xFFFFE003, lr  }
0x1b: {  	s9 =	sadd.s32 $0xFFFFFEF7, lr;
	s5 =	simm.s32 $0xFFFFFFFF;
	p2 =	slt.u32 s8, $0xFFFFF086  }
0x1c: {  	p1 =	slt.u32 s9, $0xF7A;
	s5 =	simm.s32 @!p2 $0x0  }
0x1d: {  	s5 =	simm.s32 @p1 $0x1;
	p0 =	seq.s32 s7, s2  }
0x1e: {  	s7 =	smul.u32 @!p0 $0xF7A, s2;
	p2 =	seq.s32 @!p0 s5, $0x0  }
0x1f: {  	s9 =	smul.u32 $0xF7A, s1;
	s8 =	simm.s32 @!p0 $0x1BF5;
	p2 =	por !p2, p0  }
0x20: {  	[sflag:s8] =	ssyncset.s32 @!p0 $0xFFFFF086;
	s6 =	sadd.s32 @!p0 s3, s7;
	s7 =	simm.s32 @!p0 $0x108  }
0x21: {  	s3 =	sadd.s32 s3, s9;
	s6 =	sadd.s32 @!p0 $0x88, s6;
	s7 =	simm.s32 @p2 $0x1082  }
0x22: {  	[simem:s7], [sflag:s8] =	dma.local @!p0 [hbm:s6], $0xF7A  }
0x23: {  	s9 =	sor.u32 $0xD0000000, s2;
	s6 =	simm.s32 $0x108;
	_ =	swait.ge @!p0 [sflag:s8], $0x0  }
0x24: {  	s3 =	sadd.s32 $0x88, s3;
	s6 =	simm.s32 @!p1 $0x1082;
	[sflag:s4] =	ssyncset.s32 $0xFFFFF086  }
0x25: {  	[simem:s6], [sflag:s4] =	dma.local [hbm:s3], $0xF7A  }
0x26: {  	[smem:$0x3F94] =	sst s1;
	(tag) =	ssettag s2;
	_ =	strace s9  }
0x27: {  	s1 =	sld [smem:$0x3FA4]  }
0x28: {  	s2 =	sld [smem:$0x3FA5]  }
0x29: {  	s4 =	sld [smem:$0x3FA7]  }
0x2a: {  	p0 =	seq.s32 s5, $0x0;
	s5 =	sld [smem:$0x3FA8]  }
0x2b: {  	s6 =	sld [smem:$0x3FA9]  }
0x2c: {  	s7 =	sld [smem:$0x3FAA]  }
0x2d: {  	s3 =	simm.s32 $0x108;
	s8 =	sld [smem:$0x3FAB]  }
0x2e: {  	s3 =	simm.s32 @!p0 $0x1082;
	s9 =	sld [smem:$0x3FAC]  }
0x2f: {  	lr =	sadd.s32 s0, s3;
	s0 =	sld [smem:$0x3FA3]  }
0x30: {  	s3 =	sld [smem:$0x3FA6]  }
0x31: {  	[smem:$0x3FAF] =	sst s10  }
0x32: {  	s10 =	sld [smem:$0x3FAD];
	_ =	sdelay $0x3  }
0x33: {  	p0 =	seq.s32 s10, $0x1;
	s10 =	sld [smem:$0x3FAF];
	_ =	sdelay $0x3  }
0x34: {  	[smem:$0x3FAF] =	sst s10  }
0x35: {  	s10 =	sld [smem:$0x3FAE];
	_ =	sdelay $0x3  }
0x36: {  	p1 =	seq.s32 s10, $0x1;
	s10 =	sld [smem:$0x3FAF];
	_ =	sdelay $0x3  }
0x37: {  	[smem:$0x3FAF] =	sst s10  }
0x38: {  	s10 =	sld [smem:$0x3FB0]  }
0x39: {  	_ = 	snop;
	(pc) =	sbr.ind lr, $3  }
0x3a: {  	_ = 	snop  }
0x3b: {  	_ = 	snop  }
0x3c: {  	p2 =	seq.s32 s10, $0x1;
	s10 =	sld [smem:$0x3FAF]  }
0x3d: {  	_ =	shalt  }
0x3e: {  	_ =	shalt  }
0x3f: {  	_ =	shalt  }
0x40: {  	_ =	shalt  }
0x41: {  	_ =	shalt  }
0x42: {  	_ =	shalt  }
0x43: {  	_ =	shalt  }
0x44: {  	_ =	shalt  }
0x45: {  	_ =	shalt  }
0x46: {  	_ =	shalt  }
0x47: {  	_ =	shalt  }
0x48: {  	_ =	shalt  }
0x49: {  	_ =	shalt  }
0x4a: {  	_ =	shalt  }
0x4b: {  	_ =	shalt  }
0x4c: {  	_ =	shalt  }
0x4d: {  	_ =	shalt  }
0x4e: {  	_ =	shalt  }
0x4f: {  	_ =	shalt  }
0x50: {  	_ =	shalt  }
0x51: {  	_ =	shalt  }
0x52: {  	_ =	shalt  }
0x53: {  	_ =	shalt  }
0x54: {  	_ =	shalt  }
0x55: {  	_ =	shalt  }
0x56: {  	_ =	shalt  }
0x57: {  	_ =	shalt  }
0x58: {  	_ =	shalt  }
0x59: {  	_ =	shalt  }
0x5a: {  	_ =	shalt  }
0x5b: {  	_ =	shalt  }
0x5c: {  	_ =	shalt  }
0x5d: {  	_ =	shalt  }
0x5e: {  	_ =	shalt  }
0x5f: {  	_ =	shalt  }
0x60: {  	_ =	shalt  }
0x61: {  	_ =	shalt  }
0x62: {  	_ =	shalt  }
0x63: {  	_ =	shalt  }
0x64: {  	_ =	shalt  }
0x65: {  	_ =	shalt  }
0x66: {  	_ =	shalt  }
0x67: {  	_ =	shalt  }
0x68: {  	_ =	shalt  }
0x69: {  	_ =	shalt  }
0x6a: {  	_ =	shalt  }
0x6b: {  	_ =	shalt  }
0x6c: {  	_ =	shalt  }
0x6d: {  	_ =	shalt  }
0x6e: {  	_ =	shalt  }
0x6f: {  	_ =	shalt  }
0x70: {  	_ =	shalt  }
0x71: {  	_ =	shalt  }
0x72: {  	_ =	shalt  }
0x73: {  	_ =	shalt  }
0x74: {  	_ =	shalt  }
0x75: {  	_ =	shalt  }
0x76: {  	_ =	shalt  }
0x77: {  	_ =	shalt  }
0x78: {  	_ =	shalt  }
0x79: {  	_ =	shalt  }
0x7a: {  	_ =	shalt  }
0x7b: {  	_ =	shalt  }
0x7c: {  	_ =	shalt  }
0x7d: {  	_ =	shalt  }
0x7e: {  	_ =	shalt  }
0x7f: {  	_ =	shalt  }
0x80: {  	_ =	shalt  }
0x81: {  	_ =	shalt  }
0x82: {  	_ =	shalt  }
0x83: {  	_ =	shalt  }
0x84: {  	_ =	shalt  }
0x85: {  	_ =	shalt  }
0x86: {  	_ =	shalt  }
0x87: {  	_ =	shalt  }
.Lfunc_end0:
.L_simem_size_0:
called_computation.1_lowered:
.L_overlay_start_0:
0x88: {  	s2 =	sld [smem:$0x3FD9]  }
0x89: {  	s3 =	sld [smem:$0x3FFE];
	_ =	sdelay $0x1  }
0x8a: {  	s1 =	srdreg.scid  }
0x8b: {  	s0 =	sand.u32 $0x1, s1  }
0x8c: {  	s17 =	sshll.u32 s0, $0xA;
	s2 =	sadd.s32 s3, s2  }
0x8d: {  	s2 =	sadd.s32 s2, s17  }
0x8e: {  	[smem:$0x3FBB] =	sst s2  }
0x8f: {  	_ = 	snop  }
0x90: {  	s2 =	sld [smem:$0x3FC9];
	(tm) =	ssettm $0x1  }
0x91: {  	s18 =	sld [smem:$0x3FFB];
	_ =	sdelay $0x3  }
0x92: {  	_ =	strace s18  }
0x93: {  	s3 =	sld [smem:$0x3FFC];
	_ =	sdelay $0x3  }
0x94: {  	_ =	strace s3  }
0x95: {  	s3 =	sld [smem:$0x3FFD];
	_ =	sdelay $0x3  }
0x96: {  	_ =	strace s3  }
0x97: {  	_ =	strace $0x8FFFFFFF  }
0x98: {  	s19 =	sld [smem:$0x3FDB];
	_ =	sdelay $0x1  }
0x99: {  	s4 =	simm.s32 $_scs_section_size  }
0x9a: {  	s5 =	simm.s32 $_size__tile_overlayer_lowered;
	s6 =	simm.s32 $_tile_overlayer_lowered  }
0x9b: {  	s22 =	simm.s32 $0x1BFF;
	s21 =	sshll.u32 s6, $0x1;
	s3 =	sadd.s32 s4, s19  }
0x9c: {  	s7 =	simm.s32 $0x0;
	s20 =	sshll.u32 s5, $0x1;
	s5 =	sadd.s32 s21, s3  }
0x9d: {  	[timem:s7], [sflag:s22] =	dma.local [hbm:s5], s20  }
0x9e: {  	_ =	swait.ge [sflag:s22], s20  }
0x9f: {  	s4 =	ssub.s32 $0x0, s20;
	[sflag:s22] =	ssyncset.done $0x0  }
0xa0: {  	[sflag:s22] =	ssyncadd.s32 s4;
	_ =	sdelay $0x1  }
0xa1: {  	s23 =	simm.s32 $0x1B8B  }
0xa2: {  	_ =	swait.ge [sflag:s23], $0x1  }
0xa3: {  	[sflag:s23] =	ssyncset.done $0x0  }
0xa4: {  	s25 =	simm.s32 $0x1B8E;
	s24 =	sld [smem:$0x3FFE];
	[sflag:s23] =	ssyncadd.s32 $0xFFFFFFFF  }
0xa5: {  	s26 =	simm.s32 $execute0_lowered;
	[smem:$0x3FD2] =	sst s25  }
0xa6: {  	s5 =	sshll.u32 s26, $0x1;
	_ =	strace $0x80000049;
	[dreg:$0x1] =	wrdreg $0xFFFFFFFF  }
0xa7: {  	s28 =	simm.s32 $_size_execute0_lowered;
	s3 =	sadd.s32 s3, s5;
	[dreg:$0x0] =	wrdreg $0x0  }
0xa8: {  	s5 =	sshll.u32 s28, $0x1;
	[dreg:$0x2] =	wrdreg s3  }
0xa9: {  	[dreg:$0x3] =	wrdreg s5  }
0xaa: {  	[dreg:$0x4] =	wrdreg $0xC0  }
0xab: {  	_ =	task [dreg:s7], $0x5FFFF  }
0xac: {  	[dreg:$0x1] =	wrdreg $0xFFFFFFFF  }
0xad: {  	[dreg:$0x0] =	wrdreg $0x60  }
0xae: {  	[dreg:$0x2] =	wrdreg s2  }
0xaf: {  	[dreg:$0x3] =	wrdreg s24  }
0xb0: {  	[dreg:$0x4] =	wrdreg $0x9  }
0xb1: {  	_ =	task.clear_ibuf [dreg:s7], $0x5FFFF;
	_ =	strace $0x90000049  }
0xb2: {  	s29 =	simm.s32 $0x9;
	_ =	strace $0x8000004B  }
0xb3: {  	_ =	swait.ge [sflag:s29], $0x1  }
0xb4: {  	[sflag:s29] =	ssyncadd.s32 $0xFFFFFFFF  }
0xb5: {  	_ =	strace $0x9000004B  }
0xb6: {  	_ =	sfence  }
0xb7: {  	s30 =	sld [smem:$0x0];
	_ =	sdelay $0x2  }
0xb8: {  	s31 =	sshll.u32 s1, $0xD;
	s1 =	sshrl.u32 s1, $0x2  }
0xb9: {  	s3 =	sand.u32 $0x4000, s31;
	s1 =	sadd.s32 s1, s30  }
0xba: {  	s0 =	sor.u32 s3, s0;
	s1 =	sshll.u32 s1, $0x11  }
0xbb: {  	s0 =	sor.u32 s1, s0  }
0xbc: {  	s0 =	sadd.s32 $0x8F2B, s0  }
0xbd: {  	[sflag:s0] =	ssyncadd.remote.s32 $0x1  }
0xbe: {  	_ =	sfence.sel $0xFFFF  }
0xbf: {  	[dreg:$0x0] =	wrdreg $0xFFFFFFFF;
	(pc) =	sbr.abs _section_cstart, $3  }
0xc0: {  	[dreg:$0x1] =	wrdreg $0xFFFFFFFF  }
0xc1: {  	_ =	task.clear_ibuf [dreg:s7], $0x2FFFF;
	_ =	strace $0x9FFFFFFF  }
0xc2: {  	(tm) =	ssettm $0x7FFFFFFF  }
0xc3: {  	_ =	shalt  }
tec
execute0_lowered:
.L_overlay_start_1:
0x0: {  	(tag) =	ssettag $0x1  }
0x1: {  	s1 =	srdreg.scid;
	s0 =	stileid.u32  }
0x2: {  	s5 =	sand.u32 $0x1, s1;
	s6 =	sshll.u32 s0, $0x1  }
0x3: {  	s6 =	sor.u32 s5, s6  }
0x4: {  	p0 =	sgt.u32 s6, $0x18  }
.Ltmp0:
0x5: {  	_ = 	snop;
	(pc) =	sbr.rel @p0 .LBB2_3-.Ltmp0, $4  }
0x6: {  	s2 =	rddreg [dreg:$0x0]  }
0x7: {  	s4 =	rddreg [dreg:$0x1];
	s3 =	simm.s32 $0x0  }
0x8: {  	[smem:$0x7FF] =	sst s3  }
0x9: {  	s1 =	rddreg [dreg:$0x2];
	_ =	strace $0x8000004A  }
0xa: {  	s7 =	smul.u32 $0x1400, s6;
	s5 =	ssub.s32 $0x2, s5  }
0xb: {  	s30 =	smul.u32 $0x14, s6;
	s9 =	sadd.s32 $0x2600, s4;
	s10 =	simm.s32 $0x1100  }
0xc: {  	s11 =	simm.s32 $0x1900;
	s12 =	simm.s32 $0x2100;
	s13 =	simm.s32 $0x2900  }
0xd: {  	s14 =	simm.s32 $0x3100;
	s15 =	simm.s32 $0x3900;
	s16 =	simm.s32 $0x4100  }
0xe: {  	s17 =	simm.s32 $0x4900;
	s18 =	simm.s32 $0x5100;
	s19 =	simm.s32 $0x5900  }
0xf: {  	s20 =	simm.s32 $0x6100;
	s21 =	simm.s32 $0x6900;
	s22 =	simm.s32 $0x7100  }
0x10: {  	s23 =	simm.s32 $0x7900;
	s24 =	simm.s32 $0x8100;
	s25 =	simm.s32 $0x8900  }
0x11: {  	s26 =	simm.s32 $0x9100;
	s28 =	simm.s32 $0x9900;
	s8 =	sshrl.u32 s5, $0x1  }
0x12: {  	v2 =	vlaneseq.u32;
	s29 =	simm.s32 $0x1;
	s7 =	sadd.s32 s7, s4;
	s31 =	ssub.s32 s5, s8  }
0x13: {  	vm0 =	vmmov $0xffff;
	v1 =	vshrl.u32 v2, $0x3;
	s5 =	sadd.s32 s9, s30;
	s8 =	simm.s32 $0x100;
	s9 =	simm.s32 $0x900  }
0x14: {  	v0 =	vand.u32 $0x7, v2;
	v2 =	vor.u32 $0x8, v2;
	v1 =	vmul.u32 $0x8, v1;
	s4 =	sadd.s32 $0x2800, s7;
	s6 =	smax.u32 s31, $0x1;
	s7 =	simm.s32 $0x2  }
.LBB2_2:
0x15: {  	[tilespmem:s3], [sflag:$0x2] =	stream.linear.gather [hbm4b:s5+s3], $0xA0, $0x38;
	[tilespmem:$0xA100] =	vst v63  }
0x16: {  	_ =	swait.ge [sflag:s7], $0xA0  }
0x17: {  	[sflag:s7] =	ssyncset.done $0x0  }
0x18: {  	[sflag:s7] =	ssyncadd.s32 $0xFFFFFF60  }
0x19: {  	v3 =	vld [tilespmem:$0x0];
	_ =	sdelay $0x4  }
0x1a: {  	v4 =	vshll.u32 v3, $0x1  }
0x1b: {  	v3 =	vand.u32 $0x7, v3;
	v4 =	vand.u32 $0xFFFFFFF0, v4  }
0x1c: {  	v3 =	vor.u32 v3, v4  }
0x1d: {  	v4 =	vperm.xlane v3, v0;
	_ =	sdelay $0x1  }
0x1e: {  	v3 =	vperm.xlane v3, v2;
	v4 =	vadd.s32 v1, v4;
	_ =	sdelay $0x1  }
0x1f: {  	v3 =	vadd.s32 v1, v3;
	_ =	sdelay $0x2  }
0x20: {  	[tilespmem:s8], [sflag:$0x1] =	stream.indirect_vreg.gather [hbm4b:s2+s3], $0x80, v4, vm0, $0xb8;
	[tilespmem:$0xA100] =	vst v63  }
0x21: {  	_ = 	snop  }
0x22: {  	[tilespmem:s9], [sflag:$0x1] =	stream.indirect_vreg.gather [hbm4b:s2+s3], $0x80, v3, vm0, $0xb8;
	[tilespmem:$0xA100] =	vst v63  }
0x23: {  	v3 =	vld [tilespmem:$0x10];
	_ =	sdelay $0x4  }
0x24: {  	v55 =	vshll.u32 v3, $0x1  }
0x25: {  	v3 =	vand.u32 $0x7, v3;
	v4 =	vand.u32 $0xFFFFFFF0, v55  }
0x26: {  	v3 =	vor.u32 v3, v4  }
0x27: {  	v4 =	vperm.xlane v3, v0;
	_ =	sdelay $0x1  }
0x28: {  	v3 =	vperm.xlane v3, v2;
	v4 =	vadd.s32 v1, v4;
	_ =	sdelay $0x1  }
0x29: {  	v3 =	vadd.s32 v1, v3;
	_ =	sdelay $0x2  }
0x2a: {  	[tilespmem:s10], [sflag:$0x1] =	stream.indirect_vreg.gather [hbm4b:s2+s3], $0x80, v4, vm0, $0xb8;
	[tilespmem:$0xA100] =	vst v63  }
0x2b: {  	_ = 	snop  }
0x2c: {  	[tilespmem:s11], [sflag:$0x1] =	stream.indirect_vreg.gather [hbm4b:s2+s3], $0x80, v3, vm0, $0xb8;
	[tilespmem:$0xA100] =	vst v63  }
0x2d: {  	v3 =	vld [tilespmem:$0x20];
	_ =	sdelay $0x4  }
0x2e: {  	v56 =	vshll.u32 v3, $0x1  }
0x2f: {  	v3 =	vand.u32 $0x7, v3;
	v4 =	vand.u32 $0xFFFFFFF0, v56  }
0x30: {  	v3 =	vor.u32 v3, v4  }
0x31: {  	v4 =	vperm.xlane v3, v0;
	_ =	sdelay $0x1  }
0x32: {  	v3 =	vperm.xlane v3, v2;
	v4 =	vadd.s32 v1, v4;
	_ =	sdelay $0x1  }
0x33: {  	v3 =	vadd.s32 v1, v3;
	_ =	sdelay $0x2  }
0x34: {  	[tilespmem:s12], [sflag:$0x1] =	stream.indirect_vreg.gather [hbm4b:s2+s3], $0x80, v4, vm0, $0xb8;
	[tilespmem:$0xA100] =	vst v63  }
0x35: {  	_ = 	snop  }
0x36: {  	[tilespmem:s13], [sflag:$0x1] =	stream.indirect_vreg.gather [hbm4b:s2+s3], $0x80, v3, vm0, $0xb8;
	[tilespmem:$0xA100] =	vst v63  }
0x37: {  	v3 =	vld [tilespmem:$0x30];
	_ =	sdelay $0x4  }
0x38: {  	v57 =	vshll.u32 v3, $0x1  }
0x39: {  	v3 =	vand.u32 $0x7, v3;
	v4 =	vand.u32 $0xFFFFFFF0, v57  }
0x3a: {  	v3 =	vor.u32 v3, v4  }
0x3b: {  	v4 =	vperm.xlane v3, v0;
	_ =	sdelay $0x1  }
0x3c: {  	v3 =	vperm.xlane v3, v2;
	v4 =	vadd.s32 v1, v4;
	_ =	sdelay $0x1  }
0x3d: {  	v3 =	vadd.s32 v1, v3;
	_ =	sdelay $0x2  }
0x3e: {  	[tilespmem:s14], [sflag:$0x1] =	stream.indirect_vreg.gather [hbm4b:s2+s3], $0x80, v4, vm0, $0xb8;
	[tilespmem:$0xA100] =	vst v63  }
0x3f: {  	_ = 	snop  }
0x40: {  	[tilespmem:s15], [sflag:$0x1] =	stream.indirect_vreg.gather [hbm4b:s2+s3], $0x80, v3, vm0, $0xb8;
	[tilespmem:$0xA100] =	vst v63  }
0x41: {  	v3 =	vld [tilespmem:$0x40];
	_ =	sdelay $0x4  }
0x42: {  	v58 =	vshll.u32 v3, $0x1  }
0x43: {  	v3 =	vand.u32 $0x7, v3;
	v4 =	vand.u32 $0xFFFFFFF0, v58  }
0x44: {  	v3 =	vor.u32 v3, v4  }
0x45: {  	v4 =	vperm.xlane v3, v0;
	_ =	sdelay $0x1  }
0x46: {  	v3 =	vperm.xlane v3, v2;
	v4 =	vadd.s32 v1, v4;
	_ =	sdelay $0x1  }
0x47: {  	v3 =	vadd.s32 v1, v3;
	_ =	sdelay $0x2  }
0x48: {  	[tilespmem:s16], [sflag:$0x1] =	stream.indirect_vreg.gather [hbm4b:s2+s3], $0x80, v4, vm0, $0xb8;
	[tilespmem:$0xA100] =	vst v63  }
0x49: {  	_ = 	snop  }
0x4a: {  	[tilespmem:s17], [sflag:$0x1] =	stream.indirect_vreg.gather [hbm4b:s2+s3], $0x80, v3, vm0, $0xb8;
	[tilespmem:$0xA100] =	vst v63  }
0x4b: {  	v3 =	vld [tilespmem:$0x50];
	_ =	sdelay $0x4  }
0x4c: {  	v59 =	vshll.u32 v3, $0x1  }
0x4d: {  	v3 =	vand.u32 $0x7, v3;
	v4 =	vand.u32 $0xFFFFFFF0, v59  }
0x4e: {  	v3 =	vor.u32 v3, v4  }
0x4f: {  	v4 =	vperm.xlane v3, v0;
	_ =	sdelay $0x1  }
0x50: {  	v3 =	vperm.xlane v3, v2;
	v4 =	vadd.s32 v1, v4;
	_ =	sdelay $0x1  }
0x51: {  	v3 =	vadd.s32 v1, v3;
	_ =	sdelay $0x2  }
0x52: {  	[tilespmem:s18], [sflag:$0x1] =	stream.indirect_vreg.gather [hbm4b:s2+s3], $0x80, v4, vm0, $0xb8;
	[tilespmem:$0xA100] =	vst v63  }
0x53: {  	_ = 	snop  }
0x54: {  	[tilespmem:s19], [sflag:$0x1] =	stream.indirect_vreg.gather [hbm4b:s2+s3], $0x80, v3, vm0, $0xb8;
	[tilespmem:$0xA100] =	vst v63  }
0x55: {  	v3 =	vld [tilespmem:$0x60];
	_ =	sdelay $0x4  }
0x56: {  	v60 =	vshll.u32 v3, $0x1  }
0x57: {  	v3 =	vand.u32 $0x7, v3;
	v4 =	vand.u32 $0xFFFFFFF0, v60  }
0x58: {  	v3 =	vor.u32 v3, v4  }
0x59: {  	v4 =	vperm.xlane v3, v0;
	_ =	sdelay $0x1  }
0x5a: {  	v3 =	vperm.xlane v3, v2;
	v4 =	vadd.s32 v1, v4;
	_ =	sdelay $0x1  }
0x5b: {  	v3 =	vadd.s32 v1, v3;
	_ =	sdelay $0x2  }
0x5c: {  	[tilespmem:s20], [sflag:$0x1] =	stream.indirect_vreg.gather [hbm4b:s2+s3], $0x80, v4, vm0, $0xb8;
	[tilespmem:$0xA100] =	vst v63  }
0x5d: {  	_ = 	snop  }
0x5e: {  	[tilespmem:s21], [sflag:$0x1] =	stream.indirect_vreg.gather [hbm4b:s2+s3], $0x80, v3, vm0, $0xb8;
	[tilespmem:$0xA100] =	vst v63  }
0x5f: {  	v3 =	vld [tilespmem:$0x70];
	_ =	sdelay $0x4  }
0x60: {  	v61 =	vshll.u32 v3, $0x1  }
0x61: {  	v3 =	vand.u32 $0x7, v3;
	v4 =	vand.u32 $0xFFFFFFF0, v61  }
0x62: {  	v3 =	vor.u32 v3, v4  }
0x63: {  	v4 =	vperm.xlane v3, v0;
	_ =	sdelay $0x1  }
0x64: {  	v3 =	vperm.xlane v3, v2;
	v4 =	vadd.s32 v1, v4;
	_ =	sdelay $0x1  }
0x65: {  	v3 =	vadd.s32 v1, v3;
	_ =	sdelay $0x2  }
0x66: {  	[tilespmem:s22], [sflag:$0x1] =	stream.indirect_vreg.gather [hbm4b:s2+s3], $0x80, v4, vm0, $0xb8;
	[tilespmem:$0xA100] =	vst v63  }
0x67: {  	_ = 	snop  }
0x68: {  	[tilespmem:s23], [sflag:$0x1] =	stream.indirect_vreg.gather [hbm4b:s2+s3], $0x80, v3, vm0, $0xb8;
	[tilespmem:$0xA100] =	vst v63  }
0x69: {  	v3 =	vld [tilespmem:$0x80];
	_ =	sdelay $0x4  }
0x6a: {  	v62 =	vshll.u32 v3, $0x1  }
0x6b: {  	v3 =	vand.u32 $0x7, v3;
	v4 =	vand.u32 $0xFFFFFFF0, v62  }
0x6c: {  	v3 =	vor.u32 v3, v4  }
0x6d: {  	v4 =	vperm.xlane v3, v0;
	_ =	sdelay $0x1  }
0x6e: {  	v3 =	vperm.xlane v3, v2;
	v4 =	vadd.s32 v1, v4;
	_ =	sdelay $0x1  }
0x6f: {  	v3 =	vadd.s32 v1, v3;
	_ =	sdelay $0x2  }
0x70: {  	[tilespmem:s24], [sflag:$0x1] =	stream.indirect_vreg.gather [hbm4b:s2+s3], $0x80, v4, vm0, $0xb8;
	[tilespmem:$0xA100] =	vst v63  }
0x71: {  	_ = 	snop  }
0x72: {  	[tilespmem:s25], [sflag:$0x1] =	stream.indirect_vreg.gather [hbm4b:s2+s3], $0x80, v3, vm0, $0xb8;
	[tilespmem:$0xA100] =	vst v63  }
0x73: {  	v3 =	vld [tilespmem:$0x90];
	_ =	sdelay $0x4  }
0x74: {  	v63 =	vshll.u32 v3, $0x1  }
0x75: {  	v3 =	vand.u32 $0x7, v3;
	v4 =	vand.u32 $0xFFFFFFF0, v63  }
0x76: {  	v3 =	vor.u32 v3, v4  }
0x77: {  	v4 =	vperm.xlane v3, v0;
	_ =	sdelay $0x1  }
0x78: {  	v3 =	vperm.xlane v3, v2;
	v4 =	vadd.s32 v1, v4;
	_ =	sdelay $0x1  }
0x79: {  	v3 =	vadd.s32 v1, v3;
	_ =	sdelay $0x2  }
0x7a: {  	[tilespmem:s26], [sflag:$0x1] =	stream.indirect_vreg.gather [hbm4b:s2+s3], $0x80, v4, vm0, $0xb8;
	[tilespmem:$0xA100] =	vst v63  }
0x7b: {  	_ = 	snop  }
0x7c: {  	[tilespmem:s28], [sflag:$0x1] =	stream.indirect_vreg.gather [hbm4b:s2+s3], $0x80, v3, vm0, $0xb8;
	[tilespmem:$0xA100] =	vst v63  }
0x7d: {  	_ =	swait.ge [sflag:s29], $0xA000  }
0x7e: {  	p0 =	sne.s32 s6, $0x1;
	[sflag:s29] =	ssyncset.done $0x0  }
.Ltmp1:
0x7f: {  	[sflag:s29] =	ssyncadd.s32 $0xFFFF6000;
	(pc) =	sbr.rel @p0 .LBB2_2-.Ltmp1, $4  }
0x80: {  	[hbm4b:s4+s3] =	stream.linear.scatter [tilespmem:s8], [sflag:$0x2], $0xA000, $0x38;
	[tilespmem:$0xA100] =	vst v63  }
0x81: {  	_ =	swait.ge [sflag:s7], $0xA000  }
0x82: {  	[sflag:s7] =	ssyncset.done $0x0  }
0x83: {  	s6 =	sadd.s32 $0xFFFFFFFF, s6;
	[sflag:s7] =	ssyncadd.s32 $0xFFFF6000  }
.LBB2_3:
0x84: {  	_ =	sfence.sel $0x180000  }
0x85: {  	[bflag:$0x0] =	sbarrier.arrive $0xFFFF  }
0x86: {  	p0 =	sne.s32 s0, $0x0;
	_ =	strace $0x9000004A  }
0x87: {  	s0 =	sadd.s32 @!p0 $0x100000, s1;
	[bflag:$0x2] =	sbarrier.arrive $0xFFFF  }
0x88: {  	[sflag:s0] =	ssyncadd.tile.s32 @!p0 $0x1;
	_ =	shalt  }
.Lfunc_end2:
_tile_overlayer_lowered:
.L_overlay_start_2:
0x89: {  	(tag) =	ssettag $0x2  }
0x8a: {  	s0 =	rddreg [dreg:$0x0];
	s2 =	stileid.u32  }
0x8b: {  	s1 =	rddreg [dreg:$0x1];
	p0 =	sne.s32 s2, $0x0  }
0x8c: {  	s3 =	rddreg [dreg:$0x2];
	[bflag:$0x3] =	sbarrier.arrive $0xFFFF;
	s2 =	simm.s32 @!p0 $0x1C02  }
0x8d: {  	[timem:s3], [sflag:s2] =	dma.local @!p0 [hbm:s0], s1  }
0x8e: {  	s0 =	simm.s32 @!p0 $0x2  }
0x8f: {  	_ =	swait.ge @!p0 [sflag:s0], s1  }
0x90: {  	s1 =	ssub.s32 @!p0 $0x0, s1;
	[sflag:s0] =	ssyncset.done @!p0 $0x0  }
0x91: {  	[sflag:s0] =	ssyncadd.s32 @!p0 s1  }
0x92: {  	[bflag:$0x3] =	sbarrier.arrive $0xFFFF  }
0x93: {  	_ =	shalt  }

// kernel: kernel.14.cloned.1.call-start
scs
__scs_entry_jumppad:
0x0: {  	(pc) =	sbr.rel $0x88, $3  }
0x1: {  	(tag) =	ssettag $0x0;
	lr =	simm.s32 $0x1  }
0x2: {  	[smem:$0x3F94] =	sst lr;
	_ =	strace $0xD0000000  }
0x3: {  	_ = 	snop  }
0x4: {  	_ = 	snop  }
0x5: {  	_ = 	snop  }
0x6: {  	_ = 	snop  }
0x7: {  	_ = 	snop  }
__scs_overlays_trampoline_lowered:
0x8: {  	[smem:$0x3FA3] =	sst s0  }
0x9: {  	[smem:$0x3FA4] =	sst s1  }
0xa: {  	[smem:$0x3FA5] =	sst s2  }
0xb: {  	[smem:$0x3FA6] =	sst s3  }
0xc: {  	[smem:$0x3FA7] =	sst s4  }
0xd: {  	[smem:$0x3FA8] =	sst s5  }
0xe: {  	[smem:$0x3FA9] =	sst s6  }
0xf: {  	[smem:$0x3FAA] =	sst s7  }
0x10: {  	[smem:$0x3FAB] =	sst s8  }
0x11: {  	[smem:$0x3FAC] =	sst s9;
	s0 =	simm.s32 @!p0 $0x0  }
0x12: {  	s1 =	sld [smem:$0x3F92];
	s0 =	simm.s32 @p0 $0x1  }
0x13: {  	[smem:$0x3FAD] =	sst s0;
	s0 =	simm.s32 @!p1 $0x0  }
0x14: {  	s2 =	sld [smem:$0x3F91];
	s0 =	simm.s32 @p1 $0x1  }
0x15: {  	[smem:$0x3FAE] =	sst s0;
	s0 =	simm.s32 @!p2 $0x0  }
0x16: {  	s3 =	sld [smem:$0x3FDB];
	s0 =	simm.s32 @p2 $0x1  }
0x17: {  	s4 =	simm.s32 $0x1BF5;
	[smem:$0x3FB0] =	sst s0  }
0x18: {  	s0 =	sld [smem:$0x3F93];
	_ =	swait.ge [sflag:s4], $0x0  }
0x19: {  	s7 =	sld [smem:$0x3F94]  }
0x1a: {  	s8 =	sadd.s32 $0xFFFFE003, lr  }
0x1b: {  	s9 =	sadd.s32 $0xFFFFFEF7, lr;
	s5 =	simm.s32 $0xFFFFFFFF;
	p2 =	slt.u32 s8, $0xFFFFF086  }
0x1c: {  	p1 =	slt.u32 s9, $0xF7A;
	s5 =	simm.s32 @!p2 $0x0  }
0x1d: {  	s5 =	simm.s32 @p1 $0x1;
	p0 =	seq.s32 s7, s2  }
0x1e: {  	s7 =	smul.u32 @!p0 $0xF7A, s2;
	p2 =	seq.s32 @!p0 s5, $0x0  }
0x1f: {  	s9 =	smul.u32 $0xF7A, s1;
	s8 =	simm.s32 @!p0 $0x1BF5;
	p2 =	por !p2, p0  }
0x20: {  	[sflag:s8] =	ssyncset.s32 @!p0 $0xFFFFF086;
	s6 =	sadd.s32 @!p0 s3, s7;
	s7 =	simm.s32 @!p0 $0x108  }
0x21: {  	s3 =	sadd.s32 s3, s9;
	s6 =	sadd.s32 @!p0 $0x88, s6;
	s7 =	simm.s32 @p2 $0x1082  }
0x22: {  	[simem:s7], [sflag:s8] =	dma.local @!p0 [hbm:s6], $0xF7A  }
0x23: {  	s9 =	sor.u32 $0xD0000000, s2;
	s6 =	simm.s32 $0x108;
	_ =	swait.ge @!p0 [sflag:s8], $0x0  }
0x24: {  	s3 =	sadd.s32 $0x88, s3;
	s6 =	simm.s32 @!p1 $0x1082;
	[sflag:s4] =	ssyncset.s32 $0xFFFFF086  }
0x25: {  	[simem:s6], [sflag:s4] =	dma.local [hbm:s3], $0xF7A  }
0x26: {  	[smem:$0x3F94] =	sst s1;
	(tag) =	ssettag s2;
	_ =	strace s9  }
0x27: {  	s1 =	sld [smem:$0x3FA4]  }
0x28: {  	s2 =	sld [smem:$0x3FA5]  }
0x29: {  	s4 =	sld [smem:$0x3FA7]  }
0x2a: {  	p0 =	seq.s32 s5, $0x0;
	s5 =	sld [smem:$0x3FA8]  }
0x2b: {  	s6 =	sld [smem:$0x3FA9]  }
0x2c: {  	s7 =	sld [smem:$0x3FAA]  }
0x2d: {  	s3 =	simm.s32 $0x108;
	s8 =	sld [smem:$0x3FAB]  }
0x2e: {  	s3 =	simm.s32 @!p0 $0x1082;
	s9 =	sld [smem:$0x3FAC]  }
0x2f: {  	lr =	sadd.s32 s0, s3;
	s0 =	sld [smem:$0x3FA3]  }
0x30: {  	s3 =	sld [smem:$0x3FA6]  }
0x31: {  	[smem:$0x3FAF] =	sst s10  }
0x32: {  	s10 =	sld [smem:$0x3FAD];
	_ =	sdelay $0x3  }
0x33: {  	p0 =	seq.s32 s10, $0x1;
	s10 =	sld [smem:$0x3FAF];
	_ =	sdelay $0x3  }
0x34: {  	[smem:$0x3FAF] =	sst s10  }
0x35: {  	s10 =	sld [smem:$0x3FAE];
	_ =	sdelay $0x3  }
0x36: {  	p1 =	seq.s32 s10, $0x1;
	s10 =	sld [smem:$0x3FAF];
	_ =	sdelay $0x3  }
0x37: {  	[smem:$0x3FAF] =	sst s10  }
0x38: {  	s10 =	sld [smem:$0x3FB0]  }
0x39: {  	_ = 	snop;
	(pc) =	sbr.ind lr, $3  }
0x3a: {  	_ = 	snop  }
0x3b: {  	_ = 	snop  }
0x3c: {  	p2 =	seq.s32 s10, $0x1;
	s10 =	sld [smem:$0x3FAF]  }
0x3d: {  	_ =	shalt  }
0x3e: {  	_ =	shalt  }
0x3f: {  	_ =	shalt  }
0x40: {  	_ =	shalt  }
0x41: {  	_ =	shalt  }
0x42: {  	_ =	shalt  }
0x43: {  	_ =	shalt  }
0x44: {  	_ =	shalt  }
0x45: {  	_ =	shalt  }
0x46: {  	_ =	shalt  }
0x47: {  	_ =	shalt  }
0x48: {  	_ =	shalt  }
0x49: {  	_ =	shalt  }
0x4a: {  	_ =	shalt  }
0x4b: {  	_ =	shalt  }
0x4c: {  	_ =	shalt  }
0x4d: {  	_ =	shalt  }
0x4e: {  	_ =	shalt  }
0x4f: {  	_ =	shalt  }
0x50: {  	_ =	shalt  }
0x51: {  	_ =	shalt  }
0x52: {  	_ =	shalt  }
0x53: {  	_ =	shalt  }
0x54: {  	_ =	shalt  }
0x55: {  	_ =	shalt  }
0x56: {  	_ =	shalt  }
0x57: {  	_ =	shalt  }
0x58: {  	_ =	shalt  }
0x59: {  	_ =	shalt  }
0x5a: {  	_ =	shalt  }
0x5b: {  	_ =	shalt  }
0x5c: {  	_ =	shalt  }
0x5d: {  	_ =	shalt  }
0x5e: {  	_ =	shalt  }
0x5f: {  	_ =	shalt  }
0x60: {  	_ =	shalt  }
0x61: {  	_ =	shalt  }
0x62: {  	_ =	shalt  }
0x63: {  	_ =	shalt  }
0x64: {  	_ =	shalt  }
0x65: {  	_ =	shalt  }
0x66: {  	_ =	shalt  }
0x67: {  	_ =	shalt  }
0x68: {  	_ =	shalt  }
0x69: {  	_ =	shalt  }
0x6a: {  	_ =	shalt  }
0x6b: {  	_ =	shalt  }
0x6c: {  	_ =	shalt  }
0x6d: {  	_ =	shalt  }
0x6e: {  	_ =	shalt  }
0x6f: {  	_ =	shalt  }
0x70: {  	_ =	shalt  }
0x71: {  	_ =	shalt  }
0x72: {  	_ =	shalt  }
0x73: {  	_ =	shalt  }
0x74: {  	_ =	shalt  }
0x75: {  	_ =	shalt  }
0x76: {  	_ =	shalt  }
0x77: {  	_ =	shalt  }
0x78: {  	_ =	shalt  }
0x79: {  	_ =	shalt  }
0x7a: {  	_ =	shalt  }
0x7b: {  	_ =	shalt  }
0x7c: {  	_ =	shalt  }
0x7d: {  	_ =	shalt  }
0x7e: {  	_ =	shalt  }
0x7f: {  	_ =	shalt  }
0x80: {  	_ =	shalt  }
0x81: {  	_ =	shalt  }
0x82: {  	_ =	shalt  }
0x83: {  	_ =	shalt  }
0x84: {  	_ =	shalt  }
0x85: {  	_ =	shalt  }
0x86: {  	_ =	shalt  }
0x87: {  	_ =	shalt  }
.Lfunc_end0:
.L_simem_size_0:
called_computation.2_lowered:
.L_overlay_start_0:
0x88: {  	s2 =	sld [smem:$0x3FD9]  }
0x89: {  	s3 =	sld [smem:$0x3FFE];
	_ =	sdelay $0x1  }
0x8a: {  	s1 =	srdreg.scid  }
0x8b: {  	s0 =	sand.u32 $0x1, s1  }
0x8c: {  	s17 =	sshll.u32 s0, $0xA;
	s2 =	sadd.s32 s3, s2  }
0x8d: {  	s2 =	sadd.s32 s2, s17  }
0x8e: {  	[smem:$0x3FBB] =	sst s2  }
0x8f: {  	_ = 	snop  }
0x90: {  	s2 =	sld [smem:$0x3FD0];
	(tm) =	ssettm $0x1  }
0x91: {  	s18 =	sld [smem:$0x3FFB];
	_ =	sdelay $0x3  }
0x92: {  	_ =	strace s18  }
0x93: {  	s3 =	sld [smem:$0x3FFC];
	_ =	sdelay $0x3  }
0x94: {  	_ =	strace s3  }
0x95: {  	s3 =	sld [smem:$0x3FFD];
	_ =	sdelay $0x3  }
0x96: {  	_ =	strace s3  }
0x97: {  	_ =	strace $0x8FFFFFFF  }
0x98: {  	s19 =	sld [smem:$0x3FDB];
	_ =	sdelay $0x1  }
0x99: {  	s4 =	simm.s32 $_scs_section_size  }
0x9a: {  	s5 =	simm.s32 $_size__tile_overlayer_lowered;
	s6 =	simm.s32 $_tile_overlayer_lowered  }
0x9b: {  	s22 =	simm.s32 $0x1BFF;
	s21 =	sshll.u32 s6, $0x1;
	s3 =	sadd.s32 s4, s19  }
0x9c: {  	s7 =	simm.s32 $0x0;
	s20 =	sshll.u32 s5, $0x1;
	s5 =	sadd.s32 s21, s3  }
0x9d: {  	[timem:s7], [sflag:s22] =	dma.local [hbm:s5], s20  }
0x9e: {  	_ =	swait.ge [sflag:s22], s20  }
0x9f: {  	s4 =	ssub.s32 $0x0, s20;
	[sflag:s22] =	ssyncset.done $0x0  }
0xa0: {  	[sflag:s22] =	ssyncadd.s32 s4;
	_ =	sdelay $0x1  }
0xa1: {  	s23 =	simm.s32 $0x1B8B  }
0xa2: {  	_ =	swait.ge [sflag:s23], $0x1  }
0xa3: {  	[sflag:s23] =	ssyncset.done $0x0  }
0xa4: {  	s25 =	simm.s32 $0x1B8E;
	s24 =	sld [smem:$0x3FFE];
	[sflag:s23] =	ssyncadd.s32 $0xFFFFFFFF  }
0xa5: {  	s26 =	simm.s32 $execute0_lowered;
	[smem:$0x3FD2] =	sst s25  }
0xa6: {  	s5 =	sshll.u32 s26, $0x1;
	_ =	strace $0x8000004C;
	[dreg:$0x1] =	wrdreg $0xFFFFFFFF  }
0xa7: {  	s28 =	simm.s32 $_size_execute0_lowered;
	s3 =	sadd.s32 s3, s5;
	[dreg:$0x0] =	wrdreg $0x0  }
0xa8: {  	s5 =	sshll.u32 s28, $0x1;
	[dreg:$0x2] =	wrdreg s3  }
0xa9: {  	[dreg:$0x3] =	wrdreg s5  }
0xaa: {  	[dreg:$0x4] =	wrdreg $0xC0  }
0xab: {  	_ =	task [dreg:s7], $0x5FFFF  }
0xac: {  	[dreg:$0x1] =	wrdreg $0xFFFFFFFF  }
0xad: {  	[dreg:$0x0] =	wrdreg $0x60  }
0xae: {  	[dreg:$0x2] =	wrdreg s24  }
0xaf: {  	[dreg:$0x3] =	wrdreg s2  }
0xb0: {  	[dreg:$0x4] =	wrdreg $0x9  }
0xb1: {  	_ =	task.clear_ibuf [dreg:s7], $0x5FFFF;
	_ =	strace $0x9000004C  }
0xb2: {  	s29 =	simm.s32 $0x9;
	_ =	strace $0x8000004E  }
0xb3: {  	_ =	swait.ge [sflag:s29], $0x1  }
0xb4: {  	[sflag:s29] =	ssyncadd.s32 $0xFFFFFFFF  }
0xb5: {  	_ =	strace $0x9000004E  }
0xb6: {  	_ =	sfence  }
0xb7: {  	s30 =	sld [smem:$0x0];
	_ =	sdelay $0x2  }
0xb8: {  	s31 =	sshll.u32 s1, $0xD;
	s1 =	sshrl.u32 s1, $0x2  }
0xb9: {  	s3 =	sand.u32 $0x4000, s31;
	s1 =	sadd.s32 s1, s30  }
0xba: {  	s0 =	sor.u32 s3, s0;
	s1 =	sshll.u32 s1, $0x11  }
0xbb: {  	s0 =	sor.u32 s1, s0  }
0xbc: {  	s0 =	sadd.s32 $0x8F2B, s0  }
0xbd: {  	[sflag:s0] =	ssyncadd.remote.s32 $0x1  }
0xbe: {  	_ =	sfence.sel $0xFFFF  }
0xbf: {  	[dreg:$0x0] =	wrdreg $0xFFFFFFFF;
	(pc) =	sbr.abs _section_cstart, $3  }
0xc0: {  	[dreg:$0x1] =	wrdreg $0xFFFFFFFF  }
0xc1: {  	_ =	task.clear_ibuf [dreg:s7], $0x2FFFF;
	_ =	strace $0x9FFFFFFF  }
0xc2: {  	(tm) =	ssettm $0x7FFFFFFF  }
0xc3: {  	_ =	shalt  }
tec
execute0_lowered:
.L_overlay_start_1:
0x0: {  	(tag) =	ssettag $0x1  }
0x1: {  	s1 =	srdreg.scid;
	s0 =	stileid.u32  }
0x2: {  	s5 =	sand.u32 $0x1, s1;
	s6 =	sshll.u32 s0, $0x1  }
0x3: {  	s6 =	sor.u32 s5, s6  }
0x4: {  	p0 =	sgt.u32 s6, $0x18  }
.Ltmp0:
0x5: {  	_ = 	snop;
	(pc) =	sbr.rel @p0 .LBB2_3-.Ltmp0, $4  }
0x6: {  	s4 =	rddreg [dreg:$0x0]  }
0x7: {  	s2 =	rddreg [dreg:$0x1];
	s3 =	simm.s32 $0x0  }
0x8: {  	[smem:$0x7FF] =	sst s3  }
0x9: {  	s1 =	rddreg [dreg:$0x2];
	_ =	strace $0x8000004D  }
0xa: {  	s7 =	smul.u32 $0x1400, s6;
	s5 =	ssub.s32 $0x2, s5  }
0xb: {  	s30 =	smul.u32 $0x14, s6;
	s9 =	sadd.s32 $0x2600, s4;
	s10 =	simm.s32 $0x1100  }
0xc: {  	s11 =	simm.s32 $0x1900;
	s12 =	simm.s32 $0x2100;
	s13 =	simm.s32 $0x2900  }
0xd: {  	s14 =	simm.s32 $0x3100;
	s15 =	simm.s32 $0x3900;
	s16 =	simm.s32 $0x4100  }
0xe: {  	s17 =	simm.s32 $0x4900;
	s18 =	simm.s32 $0x5100;
	s19 =	simm.s32 $0x5900  }
0xf: {  	s20 =	simm.s32 $0x6100;
	s21 =	simm.s32 $0x6900;
	s22 =	simm.s32 $0x7100  }
0x10: {  	s23 =	simm.s32 $0x7900;
	s24 =	simm.s32 $0x8100;
	s25 =	simm.s32 $0x8900  }
0x11: {  	s26 =	simm.s32 $0x9100;
	s28 =	simm.s32 $0x9900;
	s8 =	sshrl.u32 s5, $0x1  }
0x12: {  	v2 =	vlaneseq.u32;
	s29 =	simm.s32 $0x1;
	s7 =	sadd.s32 s7, s4;
	s31 =	ssub.s32 s5, s8  }
0x13: {  	vm0 =	vmmov $0xffff;
	v1 =	vshrl.u32 v2, $0x3;
	s5 =	sadd.s32 s9, s30;
	s8 =	simm.s32 $0x100;
	s9 =	simm.s32 $0x900  }
0x14: {  	v0 =	vand.u32 $0x7, v2;
	v2 =	vor.u32 $0x8, v2;
	v1 =	vmul.u32 $0x8, v1;
	s4 =	sadd.s32 $0x2800, s7;
	s6 =	smax.u32 s31, $0x1;
	s7 =	simm.s32 $0x2  }
.LBB2_2:
0x15: {  	[tilespmem:s3], [sflag:$0x2] =	stream.linear.gather [hbm4b:s5+s3], $0xA0, $0x38;
	[tilespmem:$0xA100] =	vst v63  }
0x16: {  	_ =	swait.ge [sflag:s7], $0xA0  }
0x17: {  	[sflag:s7] =	ssyncset.done $0x0  }
0x18: {  	[sflag:s7] =	ssyncadd.s32 $0xFFFFFF60  }
0x19: {  	[tilespmem:s8], [sflag:$0x2] =	stream.linear.gather [hbm4b:s4+s3], $0xA000, $0x38;
	[tilespmem:$0xA100] =	vst v63  }
0x1a: {  	_ =	swait.ge [sflag:s7], $0xA000  }
0x1b: {  	[sflag:s7] =	ssyncset.done $0x0  }
0x1c: {  	[sflag:s7] =	ssyncadd.s32 $0xFFFF6000  }
0x1d: {  	v3 =	vld [tilespmem:$0x0];
	_ =	sdelay $0x4  }
0x1e: {  	v4 =	vshll.u32 v3, $0x1  }
0x1f: {  	v3 =	vand.u32 $0x7, v3;
	v4 =	vand.u32 $0xFFFFFFF0, v4  }
0x20: {  	v3 =	vor.u32 v3, v4  }
0x21: {  	v4 =	vperm.xlane v3, v0;
	_ =	sdelay $0x1  }
0x22: {  	v3 =	vperm.xlane v3, v2;
	v4 =	vadd.s32 v1, v4;
	_ =	sdelay $0x1  }
0x23: {  	v3 =	vadd.s32 v1, v3;
	_ =	sdelay $0x2  }
0x24: {  	[hbm4b:s2+s3] =	stream.indirect_vreg.scatter [tilespmem:s8], [sflag:$0x1], $0x80, v4, vm0, $0xb8;
	[tilespmem:$0xA100] =	vst v63  }
0x25: {  	_ = 	snop  }
0x26: {  	[hbm4b:s2+s3] =	stream.indirect_vreg.scatter [tilespmem:s9], [sflag:$0x1], $0x80, v3, vm0, $0xb8;
	[tilespmem:$0xA100] =	vst v63  }
0x27: {  	v3 =	vld [tilespmem:$0x10];
	_ =	sdelay $0x4  }
0x28: {  	v55 =	vshll.u32 v3, $0x1  }
0x29: {  	v3 =	vand.u32 $0x7, v3;
	v4 =	vand.u32 $0xFFFFFFF0, v55  }
0x2a: {  	v3 =	vor.u32 v3, v4  }
0x2b: {  	v4 =	vperm.xlane v3, v0;
	_ =	sdelay $0x1  }
0x2c: {  	v3 =	vperm.xlane v3, v2;
	v4 =	vadd.s32 v1, v4;
	_ =	sdelay $0x1  }
0x2d: {  	v3 =	vadd.s32 v1, v3;
	_ =	sdelay $0x2  }
0x2e: {  	[hbm4b:s2+s3] =	stream.indirect_vreg.scatter [tilespmem:s10], [sflag:$0x1], $0x80, v4, vm0, $0xb8;
	[tilespmem:$0xA100] =	vst v63  }
0x2f: {  	_ = 	snop  }
0x30: {  	[hbm4b:s2+s3] =	stream.indirect_vreg.scatter [tilespmem:s11], [sflag:$0x1], $0x80, v3, vm0, $0xb8;
	[tilespmem:$0xA100] =	vst v63  }
0x31: {  	v3 =	vld [tilespmem:$0x20];
	_ =	sdelay $0x4  }
0x32: {  	v56 =	vshll.u32 v3, $0x1  }
0x33: {  	v3 =	vand.u32 $0x7, v3;
	v4 =	vand.u32 $0xFFFFFFF0, v56  }
0x34: {  	v3 =	vor.u32 v3, v4  }
0x35: {  	v4 =	vperm.xlane v3, v0;
	_ =	sdelay $0x1  }
0x36: {  	v3 =	vperm.xlane v3, v2;
	v4 =	vadd.s32 v1, v4;
	_ =	sdelay $0x1  }
0x37: {  	v3 =	vadd.s32 v1, v3;
	_ =	sdelay $0x2  }
0x38: {  	[hbm4b:s2+s3] =	stream.indirect_vreg.scatter [tilespmem:s12], [sflag:$0x1], $0x80, v4, vm0, $0xb8;
	[tilespmem:$0xA100] =	vst v63  }
0x39: {  	_ = 	snop  }
0x3a: {  	[hbm4b:s2+s3] =	stream.indirect_vreg.scatter [tilespmem:s13], [sflag:$0x1], $0x80, v3, vm0, $0xb8;
	[tilespmem:$0xA100] =	vst v63  }
0x3b: {  	v3 =	vld [tilespmem:$0x30];
	_ =	sdelay $0x4  }
0x3c: {  	v57 =	vshll.u32 v3, $0x1  }
0x3d: {  	v3 =	vand.u32 $0x7, v3;
	v4 =	vand.u32 $0xFFFFFFF0, v57  }
0x3e: {  	v3 =	vor.u32 v3, v4  }
0x3f: {  	v4 =	vperm.xlane v3, v0;
	_ =	sdelay $0x1  }
0x40: {  	v3 =	vperm.xlane v3, v2;
	v4 =	vadd.s32 v1, v4;
	_ =	sdelay $0x1  }
0x41: {  	v3 =	vadd.s32 v1, v3;
	_ =	sdelay $0x2  }
0x42: {  	[hbm4b:s2+s3] =	stream.indirect_vreg.scatter [tilespmem:s14], [sflag:$0x1], $0x80, v4, vm0, $0xb8;
	[tilespmem:$0xA100] =	vst v63  }
0x43: {  	_ = 	snop  }
0x44: {  	[hbm4b:s2+s3] =	stream.indirect_vreg.scatter [tilespmem:s15], [sflag:$0x1], $0x80, v3, vm0, $0xb8;
	[tilespmem:$0xA100] =	vst v63  }
0x45: {  	v3 =	vld [tilespmem:$0x40];
	_ =	sdelay $0x4  }
0x46: {  	v58 =	vshll.u32 v3, $0x1  }
0x47: {  	v3 =	vand.u32 $0x7, v3;
	v4 =	vand.u32 $0xFFFFFFF0, v58  }
0x48: {  	v3 =	vor.u32 v3, v4  }
0x49: {  	v4 =	vperm.xlane v3, v0;
	_ =	sdelay $0x1  }
0x4a: {  	v3 =	vperm.xlane v3, v2;
	v4 =	vadd.s32 v1, v4;
	_ =	sdelay $0x1  }
0x4b: {  	v3 =	vadd.s32 v1, v3;
	_ =	sdelay $0x2  }
0x4c: {  	[hbm4b:s2+s3] =	stream.indirect_vreg.scatter [tilespmem:s16], [sflag:$0x1], $0x80, v4, vm0, $0xb8;
	[tilespmem:$0xA100] =	vst v63  }
0x4d: {  	_ = 	snop  }
0x4e: {  	[hbm4b:s2+s3] =	stream.indirect_vreg.scatter [tilespmem:s17], [sflag:$0x1], $0x80, v3, vm0, $0xb8;
	[tilespmem:$0xA100] =	vst v63  }
0x4f: {  	v3 =	vld [tilespmem:$0x50];
	_ =	sdelay $0x4  }
0x50: {  	v59 =	vshll.u32 v3, $0x1  }
0x51: {  	v3 =	vand.u32 $0x7, v3;
	v4 =	vand.u32 $0xFFFFFFF0, v59  }
0x52: {  	v3 =	vor.u32 v3, v4  }
0x53: {  	v4 =	vperm.xlane v3, v0;
	_ =	sdelay $0x1  }
0x54: {  	v3 =	vperm.xlane v3, v2;
	v4 =	vadd.s32 v1, v4;
	_ =	sdelay $0x1  }
0x55: {  	v3 =	vadd.s32 v1, v3;
	_ =	sdelay $0x2  }
0x56: {  	[hbm4b:s2+s3] =	stream.indirect_vreg.scatter [tilespmem:s18], [sflag:$0x1], $0x80, v4, vm0, $0xb8;
	[tilespmem:$0xA100] =	vst v63  }
0x57: {  	_ = 	snop  }
0x58: {  	[hbm4b:s2+s3] =	stream.indirect_vreg.scatter [tilespmem:s19], [sflag:$0x1], $0x80, v3, vm0, $0xb8;
	[tilespmem:$0xA100] =	vst v63  }
0x59: {  	v3 =	vld [tilespmem:$0x60];
	_ =	sdelay $0x4  }
0x5a: {  	v60 =	vshll.u32 v3, $0x1  }
0x5b: {  	v3 =	vand.u32 $0x7, v3;
	v4 =	vand.u32 $0xFFFFFFF0, v60  }
0x5c: {  	v3 =	vor.u32 v3, v4  }
0x5d: {  	v4 =	vperm.xlane v3, v0;
	_ =	sdelay $0x1  }
0x5e: {  	v3 =	vperm.xlane v3, v2;
	v4 =	vadd.s32 v1, v4;
	_ =	sdelay $0x1  }
0x5f: {  	v3 =	vadd.s32 v1, v3;
	_ =	sdelay $0x2  }
0x60: {  	[hbm4b:s2+s3] =	stream.indirect_vreg.scatter [tilespmem:s20], [sflag:$0x1], $0x80, v4, vm0, $0xb8;
	[tilespmem:$0xA100] =	vst v63  }
0x61: {  	_ = 	snop  }
0x62: {  	[hbm4b:s2+s3] =	stream.indirect_vreg.scatter [tilespmem:s21], [sflag:$0x1], $0x80, v3, vm0, $0xb8;
	[tilespmem:$0xA100] =	vst v63  }
0x63: {  	v3 =	vld [tilespmem:$0x70];
	_ =	sdelay $0x4  }
0x64: {  	v61 =	vshll.u32 v3, $0x1  }
0x65: {  	v3 =	vand.u32 $0x7, v3;
	v4 =	vand.u32 $0xFFFFFFF0, v61  }
0x66: {  	v3 =	vor.u32 v3, v4  }
0x67: {  	v4 =	vperm.xlane v3, v0;
	_ =	sdelay $0x1  }
0x68: {  	v3 =	vperm.xlane v3, v2;
	v4 =	vadd.s32 v1, v4;
	_ =	sdelay $0x1  }
0x69: {  	v3 =	vadd.s32 v1, v3;
	_ =	sdelay $0x2  }
0x6a: {  	[hbm4b:s2+s3] =	stream.indirect_vreg.scatter [tilespmem:s22], [sflag:$0x1], $0x80, v4, vm0, $0xb8;
	[tilespmem:$0xA100] =	vst v63  }
0x6b: {  	_ = 	snop  }
0x6c: {  	[hbm4b:s2+s3] =	stream.indirect_vreg.scatter [tilespmem:s23], [sflag:$0x1], $0x80, v3, vm0, $0xb8;
	[tilespmem:$0xA100] =	vst v63  }
0x6d: {  	v3 =	vld [tilespmem:$0x80];
	_ =	sdelay $0x4  }
0x6e: {  	v62 =	vshll.u32 v3, $0x1  }
0x6f: {  	v3 =	vand.u32 $0x7, v3;
	v4 =	vand.u32 $0xFFFFFFF0, v62  }
0x70: {  	v3 =	vor.u32 v3, v4  }
0x71: {  	v4 =	vperm.xlane v3, v0;
	_ =	sdelay $0x1  }
0x72: {  	v3 =	vperm.xlane v3, v2;
	v4 =	vadd.s32 v1, v4;
	_ =	sdelay $0x1  }
0x73: {  	v3 =	vadd.s32 v1, v3;
	_ =	sdelay $0x2  }
0x74: {  	[hbm4b:s2+s3] =	stream.indirect_vreg.scatter [tilespmem:s24], [sflag:$0x1], $0x80, v4, vm0, $0xb8;
	[tilespmem:$0xA100] =	vst v63  }
0x75: {  	_ = 	snop  }
0x76: {  	[hbm4b:s2+s3] =	stream.indirect_vreg.scatter [tilespmem:s25], [sflag:$0x1], $0x80, v3, vm0, $0xb8;
	[tilespmem:$0xA100] =	vst v63  }
0x77: {  	v3 =	vld [tilespmem:$0x90];
	_ =	sdelay $0x4  }
0x78: {  	v63 =	vshll.u32 v3, $0x1  }
0x79: {  	v3 =	vand.u32 $0x7, v3;
	v4 =	vand.u32 $0xFFFFFFF0, v63  }
0x7a: {  	v3 =	vor.u32 v3, v4  }
0x7b: {  	v4 =	vperm.xlane v3, v0;
	_ =	sdelay $0x1  }
0x7c: {  	v3 =	vperm.xlane v3, v2;
	v4 =	vadd.s32 v1, v4;
	_ =	sdelay $0x1  }
0x7d: {  	v3 =	vadd.s32 v1, v3;
	_ =	sdelay $0x1  }
0x7e: {  	p0 =	sne.s32 s6, $0x1  }
0x7f: {  	[hbm4b:s2+s3] =	stream.indirect_vreg.scatter [tilespmem:s26], [sflag:$0x1], $0x80, v4, vm0, $0xb8;
	[tilespmem:$0xA100] =	vst v63  }
.Ltmp1:
0x80: {  	_ = 	snop;
	(pc) =	sbr.rel @p0 .LBB2_2-.Ltmp1, $4  }
0x81: {  	[hbm4b:s2+s3] =	stream.indirect_vreg.scatter [tilespmem:s28], [sflag:$0x1], $0x80, v3, vm0, $0xb8;
	[tilespmem:$0xA100] =	vst v63  }
0x82: {  	_ =	swait.ge [sflag:s29], $0xA000  }
0x83: {  	[sflag:s29] =	ssyncset.done $0x0  }
0x84: {  	s6 =	sadd.s32 $0xFFFFFFFF, s6;
	[sflag:s29] =	ssyncadd.s32 $0xFFFF6000  }
.LBB2_3:
0x85: {  	_ =	sfence.sel $0x180000  }
0x86: {  	[bflag:$0x0] =	sbarrier.arrive $0xFFFF  }
0x87: {  	p0 =	sne.s32 s0, $0x0;
	_ =	strace $0x9000004D  }
0x88: {  	s0 =	sadd.s32 @!p0 $0x100000, s1;
	[bflag:$0x2] =	sbarrier.arrive $0xFFFF  }
0x89: {  	[sflag:s0] =	ssyncadd.tile.s32 @!p0 $0x1;
	_ =	shalt  }
.Lfunc_end2:
_tile_overlayer_lowered:
.L_overlay_start_2:
0x8a: {  	(tag) =	ssettag $0x2  }
0x8b: {  	s0 =	rddreg [dreg:$0x0];
	s2 =	stileid.u32  }
0x8c: {  	s1 =	rddreg [dreg:$0x1];
	p0 =	sne.s32 s2, $0x0  }
0x8d: {  	s3 =	rddreg [dreg:$0x2];
	[bflag:$0x3] =	sbarrier.arrive $0xFFFF;
	s2 =	simm.s32 @!p0 $0x1C02  }
0x8e: {  	[timem:s3], [sflag:s2] =	dma.local @!p0 [hbm:s0], s1  }
0x8f: {  	s0 =	simm.s32 @!p0 $0x2  }
0x90: {  	_ =	swait.ge @!p0 [sflag:s0], s1  }
0x91: {  	s1 =	ssub.s32 @!p0 $0x0, s1;
	[sflag:s0] =	ssyncset.done @!p0 $0x0  }
0x92: {  	[sflag:s0] =	ssyncadd.s32 @!p0 s1  }
0x93: {  	[bflag:$0x3] =	sbarrier.arrive $0xFFFF  }
0x94: {  	_ =	shalt  }

// kernel: kernel.8.cloned.1.call-start
scs
__scs_entry_jumppad:
0x0: {  	(pc) =	sbr.rel $0x88, $3  }
0x1: {  	(tag) =	ssettag $0x0;
	lr =	simm.s32 $0x1  }
0x2: {  	[smem:$0x3F94] =	sst lr;
	_ =	strace $0xD0000000  }
0x3: {  	_ = 	snop  }
0x4: {  	_ = 	snop  }
0x5: {  	_ = 	snop  }
0x6: {  	_ = 	snop  }
0x7: {  	_ = 	snop  }
__scs_overlays_trampoline_lowered:
0x8: {  	[smem:$0x3FA3] =	sst s0  }
0x9: {  	[smem:$0x3FA4] =	sst s1  }
0xa: {  	[smem:$0x3FA5] =	sst s2  }
0xb: {  	[smem:$0x3FA6] =	sst s3  }
0xc: {  	[smem:$0x3FA7] =	sst s4  }
0xd: {  	[smem:$0x3FA8] =	sst s5  }
0xe: {  	[smem:$0x3FA9] =	sst s6  }
0xf: {  	[smem:$0x3FAA] =	sst s7  }
0x10: {  	[smem:$0x3FAB] =	sst s8  }
0x11: {  	[smem:$0x3FAC] =	sst s9;
	s0 =	simm.s32 @!p0 $0x0  }
0x12: {  	s1 =	sld [smem:$0x3F92];
	s0 =	simm.s32 @p0 $0x1  }
0x13: {  	[smem:$0x3FAD] =	sst s0;
	s0 =	simm.s32 @!p1 $0x0  }
0x14: {  	s2 =	sld [smem:$0x3F91];
	s0 =	simm.s32 @p1 $0x1  }
0x15: {  	[smem:$0x3FAE] =	sst s0;
	s0 =	simm.s32 @!p2 $0x0  }
0x16: {  	s3 =	sld [smem:$0x3FDB];
	s0 =	simm.s32 @p2 $0x1  }
0x17: {  	s4 =	simm.s32 $0x1BF5;
	[smem:$0x3FB0] =	sst s0  }
0x18: {  	s0 =	sld [smem:$0x3F93];
	_ =	swait.ge [sflag:s4], $0x0  }
0x19: {  	s7 =	sld [smem:$0x3F94]  }
0x1a: {  	s8 =	sadd.s32 $0xFFFFE003, lr  }
0x1b: {  	s9 =	sadd.s32 $0xFFFFFEF7, lr;
	s5 =	simm.s32 $0xFFFFFFFF;
	p2 =	slt.u32 s8, $0xFFFFF086  }
0x1c: {  	p1 =	slt.u32 s9, $0xF7A;
	s5 =	simm.s32 @!p2 $0x0  }
0x1d: {  	s5 =	simm.s32 @p1 $0x1;
	p0 =	seq.s32 s7, s2  }
0x1e: {  	s7 =	smul.u32 @!p0 $0xF7A, s2;
	p2 =	seq.s32 @!p0 s5, $0x0  }
0x1f: {  	s9 =	smul.u32 $0xF7A, s1;
	s8 =	simm.s32 @!p0 $0x1BF5;
	p2 =	por !p2, p0  }
0x20: {  	[sflag:s8] =	ssyncset.s32 @!p0 $0xFFFFF086;
	s6 =	sadd.s32 @!p0 s3, s7;
	s7 =	simm.s32 @!p0 $0x108  }
0x21: {  	s3 =	sadd.s32 s3, s9;
	s6 =	sadd.s32 @!p0 $0x88, s6;
	s7 =	simm.s32 @p2 $0x1082  }
0x22: {  	[simem:s7], [sflag:s8] =	dma.local @!p0 [hbm:s6], $0xF7A  }
0x23: {  	s9 =	sor.u32 $0xD0000000, s2;
	s6 =	simm.s32 $0x108;
	_ =	swait.ge @!p0 [sflag:s8], $0x0  }
0x24: {  	s3 =	sadd.s32 $0x88, s3;
	s6 =	simm.s32 @!p1 $0x1082;
	[sflag:s4] =	ssyncset.s32 $0xFFFFF086  }
0x25: {  	[simem:s6], [sflag:s4] =	dma.local [hbm:s3], $0xF7A  }
0x26: {  	[smem:$0x3F94] =	sst s1;
	(tag) =	ssettag s2;
	_ =	strace s9  }
0x27: {  	s1 =	sld [smem:$0x3FA4]  }
0x28: {  	s2 =	sld [smem:$0x3FA5]  }
0x29: {  	s4 =	sld [smem:$0x3FA7]  }
0x2a: {  	p0 =	seq.s32 s5, $0x0;
	s5 =	sld [smem:$0x3FA8]  }
0x2b: {  	s6 =	sld [smem:$0x3FA9]  }
0x2c: {  	s7 =	sld [smem:$0x3FAA]  }
0x2d: {  	s3 =	simm.s32 $0x108;
	s8 =	sld [smem:$0x3FAB]  }
0x2e: {  	s3 =	simm.s32 @!p0 $0x1082;
	s9 =	sld [smem:$0x3FAC]  }
0x2f: {  	lr =	sadd.s32 s0, s3;
	s0 =	sld [smem:$0x3FA3]  }
0x30: {  	s3 =	sld [smem:$0x3FA6]  }
0x31: {  	[smem:$0x3FAF] =	sst s10  }
0x32: {  	s10 =	sld [smem:$0x3FAD];
	_ =	sdelay $0x3  }
0x33: {  	p0 =	seq.s32 s10, $0x1;
	s10 =	sld [smem:$0x3FAF];
	_ =	sdelay $0x3  }
0x34: {  	[smem:$0x3FAF] =	sst s10  }
0x35: {  	s10 =	sld [smem:$0x3FAE];
	_ =	sdelay $0x3  }
0x36: {  	p1 =	seq.s32 s10, $0x1;
	s10 =	sld [smem:$0x3FAF];
	_ =	sdelay $0x3  }
0x37: {  	[smem:$0x3FAF] =	sst s10  }
0x38: {  	s10 =	sld [smem:$0x3FB0]  }
0x39: {  	_ = 	snop;
	(pc) =	sbr.ind lr, $3  }
0x3a: {  	_ = 	snop  }
0x3b: {  	_ = 	snop  }
0x3c: {  	p2 =	seq.s32 s10, $0x1;
	s10 =	sld [smem:$0x3FAF]  }
0x3d: {  	_ =	shalt  }
0x3e: {  	_ =	shalt  }
0x3f: {  	_ =	shalt  }
0x40: {  	_ =	shalt  }
0x41: {  	_ =	shalt  }
0x42: {  	_ =	shalt  }
0x43: {  	_ =	shalt  }
0x44: {  	_ =	shalt  }
0x45: {  	_ =	shalt  }
0x46: {  	_ =	shalt  }
0x47: {  	_ =	shalt  }
0x48: {  	_ =	shalt  }
0x49: {  	_ =	shalt  }
0x4a: {  	_ =	shalt  }
0x4b: {  	_ =	shalt  }
0x4c: {  	_ =	shalt  }
0x4d: {  	_ =	shalt  }
0x4e: {  	_ =	shalt  }
0x4f: {  	_ =	shalt  }
0x50: {  	_ =	shalt  }
0x51: {  	_ =	shalt  }
0x52: {  	_ =	shalt  }
0x53: {  	_ =	shalt  }
0x54: {  	_ =	shalt  }
0x55: {  	_ =	shalt  }
0x56: {  	_ =	shalt  }
0x57: {  	_ =	shalt  }
0x58: {  	_ =	shalt  }
0x59: {  	_ =	shalt  }
0x5a: {  	_ =	shalt  }
0x5b: {  	_ =	shalt  }
0x5c: {  	_ =	shalt  }
0x5d: {  	_ =	shalt  }
0x5e: {  	_ =	shalt  }
0x5f: {  	_ =	shalt  }
0x60: {  	_ =	shalt  }
0x61: {  	_ =	shalt  }
0x62: {  	_ =	shalt  }
0x63: {  	_ =	shalt  }
0x64: {  	_ =	shalt  }
0x65: {  	_ =	shalt  }
0x66: {  	_ =	shalt  }
0x67: {  	_ =	shalt  }
0x68: {  	_ =	shalt  }
0x69: {  	_ =	shalt  }
0x6a: {  	_ =	shalt  }
0x6b: {  	_ =	shalt  }
0x6c: {  	_ =	shalt  }
0x6d: {  	_ =	shalt  }
0x6e: {  	_ =	shalt  }
0x6f: {  	_ =	shalt  }
0x70: {  	_ =	shalt  }
0x71: {  	_ =	shalt  }
0x72: {  	_ =	shalt  }
0x73: {  	_ =	shalt  }
0x74: {  	_ =	shalt  }
0x75: {  	_ =	shalt  }
0x76: {  	_ =	shalt  }
0x77: {  	_ =	shalt  }
0x78: {  	_ =	shalt  }
0x79: {  	_ =	shalt  }
0x7a: {  	_ =	shalt  }
0x7b: {  	_ =	shalt  }
0x7c: {  	_ =	shalt  }
0x7d: {  	_ =	shalt  }
0x7e: {  	_ =	shalt  }
0x7f: {  	_ =	shalt  }
0x80: {  	_ =	shalt  }
0x81: {  	_ =	shalt  }
0x82: {  	_ =	shalt  }
0x83: {  	_ =	shalt  }
0x84: {  	_ =	shalt  }
0x85: {  	_ =	shalt  }
0x86: {  	_ =	shalt  }
0x87: {  	_ =	shalt  }
.Lfunc_end0:
.L_simem_size_0:
called_computation_lowered:
.L_overlay_start_0:
0x88: {  	s2 =	sld [smem:$0x3FD9]  }
0x89: {  	s3 =	sld [smem:$0x3FFE];
	_ =	sdelay $0x1  }
0x8a: {  	s1 =	srdreg.scid  }
0x8b: {  	s0 =	sand.u32 $0x1, s1  }
0x8c: {  	s17 =	sshll.u32 s0, $0xA;
	s2 =	sadd.s32 s3, s2  }
0x8d: {  	s2 =	sadd.s32 s2, s17  }
0x8e: {  	[smem:$0x3FBB] =	sst s2  }
0x8f: {  	_ = 	snop  }
0x90: {  	s2 =	sld [smem:$0x3FC8]  }
0x91: {  	s18 =	sld [smem:$0x3FC7]  }
0x92: {  	s4 =	sld [smem:$0x3FD0];
	(tm) =	ssettm $0x1  }
0x93: {  	s5 =	sld [smem:$0x3FFB];
	_ =	sdelay $0x3  }
0x94: {  	_ =	strace s5  }
0x95: {  	s5 =	sld [smem:$0x3FFC];
	_ =	sdelay $0x3  }
0x96: {  	_ =	strace s5  }
0x97: {  	s5 =	sld [smem:$0x3FFD];
	_ =	sdelay $0x3  }
0x98: {  	_ =	strace s5  }
0x99: {  	_ =	strace $0x8FFFFFFF  }
0x9a: {  	s19 =	sld [smem:$0x3FDB];
	_ =	sdelay $0x1  }
0x9b: {  	s6 =	simm.s32 $_scs_section_size  }
0x9c: {  	s7 =	simm.s32 $_size__tile_overlayer_lowered;
	s8 =	simm.s32 $_tile_overlayer_lowered  }
0x9d: {  	s22 =	simm.s32 $0x1BFF;
	s21 =	sshll.u32 s8, $0x1;
	s5 =	sadd.s32 s6, s19  }
0x9e: {  	s9 =	simm.s32 $0x0;
	s20 =	sshll.u32 s7, $0x1;
	s7 =	sadd.s32 s21, s5  }
0x9f: {  	[timem:s9], [sflag:s22] =	dma.local [hbm:s7], s20  }
0xa0: {  	_ =	swait.ge [sflag:s22], s20  }
0xa1: {  	s6 =	ssub.s32 $0x0, s20;
	[sflag:s22] =	ssyncset.done $0x0  }
0xa2: {  	[sflag:s22] =	ssyncadd.s32 s6;
	_ =	sdelay $0x1  }
0xa3: {  	s23 =	simm.s32 $0x1B8B  }
0xa4: {  	_ =	swait.ge [sflag:s23], $0x1  }
0xa5: {  	[sflag:s23] =	ssyncset.done $0x0  }
0xa6: {  	s25 =	simm.s32 $0x1B8E;
	s24 =	sld [smem:$0x3FFE];
	[sflag:s23] =	ssyncadd.s32 $0xFFFFFFFF  }
0xa7: {  	s26 =	simm.s32 $execute0_lowered;
	[smem:$0x3FD2] =	sst s25  }
0xa8: {  	s7 =	sshll.u32 s26, $0x1;
	_ =	strace $0x80000046;
	[dreg:$0x1] =	wrdreg $0xFFFFFFFF  }
0xa9: {  	s28 =	simm.s32 $_size_execute0_lowered;
	s5 =	sadd.s32 s5, s7;
	[dreg:$0x0] =	wrdreg $0x0  }
0xaa: {  	s7 =	sshll.u32 s28, $0x1;
	[dreg:$0x2] =	wrdreg s5  }
0xab: {  	[dreg:$0x3] =	wrdreg s7  }
0xac: {  	[dreg:$0x4] =	wrdreg $0xC0  }
0xad: {  	_ =	task [dreg:s9], $0x5FFFF  }
0xae: {  	[dreg:$0x1] =	wrdreg $0xFFFFFFFF  }
0xaf: {  	[dreg:$0x0] =	wrdreg $0x60  }
0xb0: {  	[dreg:$0x2] =	wrdreg s18  }
0xb1: {  	[dreg:$0x3] =	wrdreg s2  }
0xb2: {  	[dreg:$0x4] =	wrdreg s4  }
0xb3: {  	[dreg:$0x5] =	wrdreg s24  }
0xb4: {  	[dreg:$0x6] =	wrdreg $0x9  }
0xb5: {  	_ =	task.clear_ibuf [dreg:s9], $0x7FFFF;
	_ =	strace $0x90000046  }
0xb6: {  	s29 =	simm.s32 $0x9;
	_ =	strace $0x80000048  }
0xb7: {  	_ =	swait.ge [sflag:s29], $0x1  }
0xb8: {  	[sflag:s29] =	ssyncadd.s32 $0xFFFFFFFF  }
0xb9: {  	_ =	strace $0x90000048  }
0xba: {  	_ =	sfence  }
0xbb: {  	s30 =	sld [smem:$0x0];
	_ =	sdelay $0x2  }
0xbc: {  	s31 =	sshll.u32 s1, $0xD;
	s1 =	sshrl.u32 s1, $0x2  }
0xbd: {  	s3 =	sand.u32 $0x4000, s31;
	s1 =	sadd.s32 s1, s30  }
0xbe: {  	s0 =	sor.u32 s3, s0;
	s1 =	sshll.u32 s1, $0x11  }
0xbf: {  	s0 =	sor.u32 s1, s0  }
0xc0: {  	s0 =	sadd.s32 $0x8F2B, s0  }
0xc1: {  	[sflag:s0] =	ssyncadd.remote.s32 $0x1  }
0xc2: {  	_ =	sfence.sel $0xFFFF  }
0xc3: {  	[dreg:$0x0] =	wrdreg $0xFFFFFFFF;
	(pc) =	sbr.abs _section_cstart, $3  }
0xc4: {  	[dreg:$0x1] =	wrdreg $0xFFFFFFFF  }
0xc5: {  	_ =	task.clear_ibuf [dreg:s9], $0x2FFFF;
	_ =	strace $0x9FFFFFFF  }
0xc6: {  	(tm) =	ssettm $0x7FFFFFFF  }
0xc7: {  	_ =	shalt  }
tec
execute0_lowered:
.L_overlay_start_1:
0x0: {  	(tag) =	ssettag $0x1  }
0x1: {  	s1 =	stileid.u32  }
0x2: {  	s6 =	rddreg [dreg:$0x0];
	p0 =	sgt.u32 s1, $0x1  }
.Ltmp0:
0x3: {  	s4 =	rddreg [dreg:$0x1];
	(pc) =	sbr.rel @p0 .LBB2_11-.Ltmp0, $4  }
0x4: {  	s2 =	rddreg [dreg:$0x2]  }
0x5: {  	s5 =	rddreg [dreg:$0x3];
	s3 =	simm.s32 $0x0  }
0x6: {  	[smem:$0x7FF] =	sst s3  }
0x7: {  	s0 =	rddreg [dreg:$0x4];
	_ =	strace $0x80000047  }
0x8: {  	s7 =	srdreg.scid  }
0x9: {  	s8 =	sshll.u32 s1, $0x1;
	s7 =	sand.u32 $0x1, s7  }
0xa: {  	s8 =	sor.u32 s7, s8  }
0xb: {  	s11 =	smul.u32 $0x4E20, s8  }
0xc: {  	s7 =	ssub.s32 $0x2, s7;
	s9 =	smul.u32 $0x7D, s8  }
.Ltmp1:
0xd: {  	s13 =	simm.s32 $0x0;
	s12 =	sshrl.u32 s7, $0x1;
	(pc) =	sbr.rel .LBB2_2-.Ltmp1, $4  }
0xe: {  	v1 =	vlaneseq.u32;
	v0 =	vmov s8;
	s8 =	simm.s32 $0x1;
	s7 =	ssub.s32 s7, s12;
	s12 =	simm.s32 $0xEC00  }
0xf: {  	v3 =	vor.u32 $0x4E00, v1;
	v4 =	vor.u32 $0x4E10, v1;
	s10 =	sshrl.u32 s11, $0x3;
	s5 =	sadd.s32 s9, s5;
	s7 =	smax.u32 s7, $0x1  }
0x10: {  	v2 =	vmov s11;
	s9 =	simm.s32 $0x4E80;
	v3 =	vadd.s32 s11, v3;
	v4 =	vadd.s32 s11, v4;
	s11 =	simm.s32 $0x9D80;
	s4 =	sadd.s32 s4, s10  }
0x11: {  	v5 =	vimm.s32 $0x0;
	s5 =	sadd.s32 $0x2600, s5;
	s6 =	sadd.s32 s6, s10;
	s10 =	simm.s32 $0x9D00  }
.LBB2_6:
0x12: {  	_ = 	snop  }
.LBB2_9:
0x13: {  	_ =	sdelay $0x3  }
0x14: {  	[tilespmem:v9+s11+$0x0] =	vst.idx.msk @p0 $0xffff, v8  }
0x15: {  	v6 =	vadd.s32 s14, v6;
	v7 =	vld.idx.msk [tilespmem:v7+s12+$0x0], $0xffff;
	_ =	sdelay $0x4  }
0x16: {  	[tilespmem:v6+s11+$0x0] =	vst.idx.msk $0xffff, v7  }
.LBB2_10:
0x17: {  	s13 =	sadd.s32 $0x1, s13  }
0x18: {  	p0 =	sne.s32 s13, s7  }
.Ltmp2:
0x19: {  	_ = 	snop;
	(pc) =	sbr.rel @!p0 .LBB2_11-.Ltmp2, $4  }
0x1a: {  	[hbm4b:s5+s3] =	stream.linear.scatter [tilespmem:s11], [sflag:$0x1], $0x3E8, $0x38;
	[tilespmem:$0x13A80] =	vst v63  }
0x1b: {  	_ =	swait.ge [sflag:s8], $0x3E8  }
0x1c: {  	[sflag:s8] =	ssyncset.done $0x0  }
0x1d: {  	[sflag:s8] =	ssyncadd.s32 $0xFFFFFC18  }
.LBB2_2:
0x1e: {  	s14 =	simm.s32 $0x0  }
0x1f: {  	[tilespmem:s14], [sflag:$0x1] =	stream.linear.gather [hbm4b:s6+s14], $0x4E20, $0x38;
	[tilespmem:$0x13A80] =	vst v63  }
0x20: {  	_ =	swait.ge [sflag:s8], $0x4E20  }
0x21: {  	[sflag:s8] =	ssyncset.done $0x0  }
0x22: {  	[sflag:s8] =	ssyncadd.s32 $0xFFFFB1E0  }
0x23: {  	[tilespmem:s9], [sflag:$0x1] =	stream.linear.gather [hbm4b:s4+s14], $0x4E20, $0x38;
	[tilespmem:$0x13A80] =	vst v63  }
0x24: {  	_ =	swait.ge [sflag:s8], $0x4E20  }
0x25: {  	[sflag:s8] =	ssyncset.done $0x0  }
0x26: {  	[sflag:s8] =	ssyncadd.s32 $0xFFFFB1E0  }
0x27: {  	[tilespmem:s10], [sflag:$0x1] =	stream.linear.gather [hbm4b:s2+s14], $0x80, $0x38;
	[tilespmem:$0x13A80] =	vst v63  }
0x28: {  	_ =	swait.ge [sflag:s8], $0x80  }
0x29: {  	[sflag:s8] =	ssyncset.done $0x0  }
0x2a: {  	s16 =	simm.s32 $0x20;
	[sflag:s8] =	ssyncadd.s32 $0xFFFFFF80  }
0x2b: {  	s15 =	simm.s32 $0x4EA0;
	v7 =	vld [tilespmem:s16+$0xFFFFFFE0]  }
0x2c: {  	v8 =	vld [tilespmem:s15+$0xFFFFFFE0];
	_ =	sdelay $0x1  }
0x2d: {  	v6 =	vld.idx.msk [tilespmem:v0+s10+$0x0], $0xffff;
	_ =	sdelay $0x2  }
0x2e: {  	v7 =	vadd.f32 v8, v7;
	_ =	sdelay $0x1  }
0x2f: {  	vm0 =	vgt.f32 v7, v6  }
0x30: {  	vm1 =	veq.f32 v7, v6;
	v8 =	vsel vm0, $0x1, v5  }
0x31: {  	v7 =	vsel vm1, $0x1, v5;
	(xrf0) =	vadd.scan.msk.s32 $0xffff, v8  }
0x32: {  	(xrf0) =	vadd.scan.msk.s32 $0xffff, v7;
	_ =	sdelay $0x1  }
0x33: {  	v7 =	vmov s14  }
0x34: {  	v7 =	vadd.s32 $0xFFFFFFFF, v7  }
0x35: {  	v7 =	vbroadcast v7, $0x0  }
0x36: {  	v8, _, _ =	vpop (xrf0)  }
0x37: {  	v9 =	vadd.s32 v8, v7;
	v10, _, _ =	vpop (xrf0)  }
0x38: {  	v7 =	vadd.s32 v10, v7;
	_ =	sdelay $0x1  }
0x39: {  	(v2sf) =	vpush v8, $0xF;
	v8 =	vadd.s32 s14, v2  }
0x3a: {  	(v2sf) =	vpush v10, $0xF;
	v8 =	vadd.s32 v1, v8  }
0x3b: {  	[tilespmem:v9+s11+$0x0] =	vst.idx.msk vm0, v8  }
0x3c: {  	[tilespmem:v7+s12+$0x0] =	vst.idx.msk vm1, v8  }
0x3d: {  	v7 =	vld [tilespmem:s16+$0xFFFFFFF0]  }
0x3e: {  	v8 =	vld [tilespmem:s15+$0xFFFFFFF0];
	_ =	sdelay $0x4  }
0x3f: {  	v7 =	vadd.f32 v8, v7;
	_ =	sdelay $0x1  }
0x40: {  	vm10 =	vgt.f32 v7, v6  }
0x41: {  	vm11 =	veq.f32 v7, v6;
	v7 =	vsel vm10, $0x1, v5  }
0x42: {  	v8 =	vsel vm11, $0x1, v5;
	(xrf0) =	vadd.scan.msk.s32 $0xffff, v7  }
0x43: {  	s17 =	spop (v2sf);
	(xrf0) =	vadd.scan.msk.s32 $0xffff, v8  }
0x44: {  	s17 =	sadd.s32 $0x0, s17;
	s18 =	spop (v2sf)  }
0x45: {  	s18 =	sadd.s32 $0x0, s18;
	v7 =	vmov s17  }
0x46: {  	v7 =	vadd.s32 $0xFFFFFFFF, v7;
	v8 =	vmov s18  }
0x47: {  	v8 =	vadd.s32 $0xFFFFFFFF, v8;
	v7 =	vbroadcast v7, $0x0  }
0x48: {  	v8 =	vbroadcast v8, $0x0;
	v9, _, _ =	vpop (xrf0)  }
0x49: {  	v7 =	vadd.s32 v9, v7;
	v10, _, _ =	vpop (xrf0)  }
0x4a: {  	v8 =	vadd.s32 v10, v8  }
0x4b: {  	s19 =	simm.s32 $0x10  }
0x4c: {  	(v2sf) =	vpush v9, $0xF;
	v9 =	vadd.s32 s19, v2  }
0x4d: {  	(v2sf) =	vpush v10, $0xF;
	v9 =	vadd.s32 v1, v9  }
0x4e: {  	[tilespmem:v7+s11+$0x0] =	vst.idx.msk vm10, v9  }
0x4f: {  	[tilespmem:v8+s12+$0x0] =	vst.idx.msk vm11, v9  }
0x50: {  	v7 =	vld [tilespmem:s16+$0x0]  }
0x51: {  	v8 =	vld [tilespmem:s15+$0x0];
	_ =	sdelay $0x4  }
0x52: {  	v7 =	vadd.f32 v8, v7;
	_ =	sdelay $0x1  }
0x53: {  	vm12 =	vgt.f32 v7, v6  }
0x54: {  	vm13 =	veq.f32 v7, v6;
	v7 =	vsel vm12, $0x1, v5  }
0x55: {  	v8 =	vsel vm13, $0x1, v5;
	(xrf0) =	vadd.scan.msk.s32 $0xffff, v7  }
0x56: {  	s25 =	spop (v2sf);
	(xrf0) =	vadd.scan.msk.s32 $0xffff, v8  }
0x57: {  	s17 =	sadd.s32 s17, s25;
	s26 =	spop (v2sf)  }
0x58: {  	s18 =	sadd.s32 s18, s26;
	v7 =	vmov s17  }
0x59: {  	v7 =	vadd.s32 $0xFFFFFFFF, v7;
	v8 =	vmov s18  }
0x5a: {  	v8 =	vadd.s32 $0xFFFFFFFF, v8;
	v7 =	vbroadcast v7, $0x0  }
0x5b: {  	v8 =	vbroadcast v8, $0x0;
	v9, _, _ =	vpop (xrf0)  }
0x5c: {  	v7 =	vadd.s32 v9, v7;
	v10, _, _ =	vpop (xrf0)  }
0x5d: {  	v8 =	vadd.s32 v10, v8  }
0x5e: {  	s28 =	simm.s32 $0x20  }
0x5f: {  	(v2sf) =	vpush v9, $0xF;
	v9 =	vadd.s32 s28, v2  }
0x60: {  	(v2sf) =	vpush v10, $0xF;
	v9 =	vadd.s32 v1, v9  }
0x61: {  	[tilespmem:v7+s11+$0x0] =	vst.idx.msk vm12, v9  }
0x62: {  	[tilespmem:v8+s12+$0x0] =	vst.idx.msk vm13, v9  }
0x63: {  	v7 =	vld [tilespmem:s16+$0x10]  }
0x64: {  	v8 =	vld [tilespmem:s15+$0x10];
	_ =	sdelay $0x4  }
0x65: {  	v7 =	vadd.f32 v8, v7;
	_ =	sdelay $0x1  }
0x66: {  	vm14 =	vgt.f32 v7, v6  }
0x67: {  	vm15 =	veq.f32 v7, v6;
	v7 =	vsel vm14, $0x1, v5  }
0x68: {  	v8 =	vsel vm15, $0x1, v5;
	(xrf0) =	vadd.scan.msk.s32 $0xffff, v7  }
0x69: {  	s29 =	spop (v2sf);
	(xrf0) =	vadd.scan.msk.s32 $0xffff, v8  }
0x6a: {  	s19 =	sadd.s32 s17, s29;
	s30 =	spop (v2sf)  }
0x6b: {  	s18 =	sadd.s32 s18, s30;
	v7 =	vmov s19  }
0x6c: {  	v7 =	vadd.s32 $0xFFFFFFFF, v7;
	v8 =	vmov s18  }
0x6d: {  	v8 =	vadd.s32 $0xFFFFFFFF, v8;
	v7 =	vbroadcast v7, $0x0  }
0x6e: {  	v8 =	vbroadcast v8, $0x0;
	v9, _, _ =	vpop (xrf0)  }
0x6f: {  	v7 =	vadd.s32 v9, v7;
	v10, _, _ =	vpop (xrf0);
	(v2sf) =	vpush v9, $0xF  }
0x70: {  	v8 =	vadd.s32 v10, v8;
	(v2sf) =	vpush v10, $0xF  }
0x71: {  	s31 =	simm.s32 $0x30  }
0x72: {  	v11 =	vadd.s32 s31, v2  }
0x73: {  	v11 =	vadd.s32 v1, v11  }
0x74: {  	[tilespmem:v7+s11+$0x0] =	vst.idx.msk vm14, v11  }
0x75: {  	s15 =	simm.s32 $0x60;
	[tilespmem:v8+s12+$0x0] =	vst.idx.msk vm15, v11  }
0x76: {  	s16 =	simm.s32 $0x4EE0;
	v7 =	vld [tilespmem:s15+$0xFFFFFFE0]  }
0x77: {  	s17 =	simm.s32 $0x4;
	v8 =	vld [tilespmem:s16+$0xFFFFFFE0]  }
.LBB2_3:
0x78: {  	_ =	sdelay $0x3  }
0x79: {  	s17 =	sadd.s32 $0x4, s17;
	s14 =	sadd.s32 $0x40, s14;
	v7 =	vadd.f32 v8, v7  }
0x7a: {  	p0 =	slt.u32 s17, $0x4DC  }
0x7b: {  	vm0 =	vgt.f32 v7, v6;
	s20 =	spop (v2sf)  }
0x7c: {  	vm1 =	veq.f32 v7, v6;
	v8 =	vsel vm0, $0x1, v5;
	s19 =	sadd.s32 s19, s20;
	s20 =	spop (v2sf)  }
0x7d: {  	v9 =	vsel vm1, $0x1, v5;
	v7 =	vmov s19;
	(xrf0) =	vadd.scan.msk.s32 $0xffff, v8;
	s18 =	sadd.s32 s18, s20  }
0x7e: {  	v7 =	vadd.s32 $0xFFFFFFFF, v7;
	v8 =	vmov s18;
	(xrf0) =	vadd.scan.msk.s32 $0xffff, v9  }
0x7f: {  	v8 =	vadd.s32 $0xFFFFFFFF, v8;
	_ =	sdelay $0x2  }
0x80: {  	v7 =	vbroadcast v7, $0x0  }
0x81: {  	v8 =	vbroadcast v8, $0x0;
	v9, _, _ =	vpop (xrf0)  }
0x82: {  	v7 =	vadd.s32 v9, v7;
	v10, _, _ =	vpop (xrf0);
	(v2sf) =	vpush v9, $0xF  }
0x83: {  	v8 =	vadd.s32 v10, v8;
	(v2sf) =	vpush v10, $0xF;
	_ =	sdelay $0x1  }
0x84: {  	v9 =	vadd.s32 s14, v2  }
0x85: {  	v9 =	vadd.s32 v1, v9  }
0x86: {  	[tilespmem:v7+s11+$0x0] =	vst.idx.msk vm0, v9  }
0x87: {  	[tilespmem:v8+s12+$0x0] =	vst.idx.msk vm1, v9  }
0x88: {  	v7 =	vld [tilespmem:s15+$0xFFFFFFF0]  }
0x89: {  	v8 =	vld [tilespmem:s16+$0xFFFFFFF0];
	_ =	sdelay $0x4  }
0x8a: {  	v7 =	vadd.f32 v8, v7;
	_ =	sdelay $0x1  }
0x8b: {  	vm1 =	vgt.f32 v7, v6;
	vm0 =	veq.f32 v7, v6;
	s20 =	spop (v2sf)  }
0x8c: {  	s19 =	sadd.s32 s19, s20;
	v7 =	vsel vm1, $0x1, v5;
	v8 =	vsel vm0, $0x1, v5;
	s20 =	spop (v2sf)  }
0x8d: {  	s18 =	sadd.s32 s18, s20;
	v9 =	vmov s19;
	(xrf0) =	vadd.scan.msk.s32 $0xffff, v7  }
0x8e: {  	v7 =	vadd.s32 $0xFFFFFFFF, v9;
	v9 =	vmov s18;
	(xrf0) =	vadd.scan.msk.s32 $0xffff, v8  }
0x8f: {  	v8 =	vadd.s32 $0xFFFFFFFF, v9;
	_ =	sdelay $0x2  }
0x90: {  	v7 =	vbroadcast v7, $0x0  }
0x91: {  	v8 =	vbroadcast v8, $0x0;
	v9, _, _ =	vpop (xrf0)  }
0x92: {  	v7 =	vadd.s32 v9, v7;
	v10, _, _ =	vpop (xrf0);
	(v2sf) =	vpush v9, $0xF  }
0x93: {  	v8 =	vadd.s32 v10, v8;
	(v2sf) =	vpush v10, $0xF  }
0x94: {  	s20 =	sadd.s32 $0x10, s14  }
0x95: {  	v9 =	vadd.s32 s20, v2  }
0x96: {  	v9 =	vadd.s32 v1, v9  }
0x97: {  	[tilespmem:v7+s11+$0x0] =	vst.idx.msk vm1, v9  }
0x98: {  	[tilespmem:v8+s12+$0x0] =	vst.idx.msk vm0, v9  }
0x99: {  	v7 =	vld [tilespmem:s15+$0x0]  }
0x9a: {  	v8 =	vld [tilespmem:s16+$0x0];
	_ =	sdelay $0x4  }
0x9b: {  	v7 =	vadd.f32 v8, v7;
	_ =	sdelay $0x1  }
0x9c: {  	vm1 =	vgt.f32 v7, v6;
	vm0 =	veq.f32 v7, v6;
	s20 =	spop (v2sf)  }
0x9d: {  	s19 =	sadd.s32 s19, s20;
	v7 =	vsel vm1, $0x1, v5;
	v8 =	vsel vm0, $0x1, v5;
	s20 =	spop (v2sf)  }
0x9e: {  	s18 =	sadd.s32 s18, s20;
	v9 =	vmov s19;
	(xrf0) =	vadd.scan.msk.s32 $0xffff, v7  }
0x9f: {  	v7 =	vadd.s32 $0xFFFFFFFF, v9;
	v9 =	vmov s18;
	(xrf0) =	vadd.scan.msk.s32 $0xffff, v8  }
0xa0: {  	v8 =	vadd.s32 $0xFFFFFFFF, v9;
	_ =	sdelay $0x2  }
0xa1: {  	v7 =	vbroadcast v7, $0x0  }
0xa2: {  	v8 =	vbroadcast v8, $0x0;
	v9, _, _ =	vpop (xrf0)  }
0xa3: {  	v7 =	vadd.s32 v9, v7;
	v10, _, _ =	vpop (xrf0);
	(v2sf) =	vpush v9, $0xF  }
0xa4: {  	v8 =	vadd.s32 v10, v8;
	(v2sf) =	vpush v10, $0xF  }
0xa5: {  	s20 =	sadd.s32 $0x20, s14  }
0xa6: {  	v9 =	vadd.s32 s20, v2  }
0xa7: {  	v9 =	vadd.s32 v1, v9  }
0xa8: {  	[tilespmem:v7+s11+$0x0] =	vst.idx.msk vm1, v9  }
0xa9: {  	[tilespmem:v8+s12+$0x0] =	vst.idx.msk vm0, v9  }
0xaa: {  	v7 =	vld [tilespmem:s15+$0x10]  }
0xab: {  	v8 =	vld [tilespmem:s16+$0x10];
	_ =	sdelay $0x4  }
0xac: {  	v7 =	vadd.f32 v8, v7;
	_ =	sdelay $0x1  }
0xad: {  	vm1 =	vgt.f32 v7, v6;
	vm0 =	veq.f32 v7, v6;
	s20 =	spop (v2sf)  }
0xae: {  	s19 =	sadd.s32 s19, s20;
	v7 =	vsel vm1, $0x1, v5;
	v8 =	vsel vm0, $0x1, v5;
	s20 =	spop (v2sf)  }
0xaf: {  	s18 =	sadd.s32 s18, s20;
	v9 =	vmov s19;
	(xrf0) =	vadd.scan.msk.s32 $0xffff, v7  }
0xb0: {  	v7 =	vadd.s32 $0xFFFFFFFF, v9;
	v9 =	vmov s18;
	(xrf0) =	vadd.scan.msk.s32 $0xffff, v8  }
0xb1: {  	v8 =	vadd.s32 $0xFFFFFFFF, v9;
	_ =	sdelay $0x2  }
0xb2: {  	v7 =	vbroadcast v7, $0x0  }
0xb3: {  	v8 =	vbroadcast v8, $0x0;
	v9, _, _ =	vpop (xrf0)  }
0xb4: {  	v7 =	vadd.s32 v9, v7;
	v10, _, _ =	vpop (xrf0);
	(v2sf) =	vpush v9, $0xF  }
0xb5: {  	v8 =	vadd.s32 v10, v8;
	(v2sf) =	vpush v10, $0xF  }
0xb6: {  	s20 =	sadd.s32 $0x30, s14  }
0xb7: {  	v9 =	vadd.s32 s20, v2  }
.Ltmp3:
0xb8: {  	v9 =	vadd.s32 v1, v9;
	(pc) =	sbr.rel @p0 .LBB2_3-.Ltmp3, $4  }
0xb9: {  	[tilespmem:v7+s11+$0x0] =	vst.idx.msk vm1, v9  }
0xba: {  	s15 =	sadd.s32 $0x40, s15;
	[tilespmem:v8+s12+$0x0] =	vst.idx.msk vm0, v9  }
0xbb: {  	s16 =	sadd.s32 $0x40, s16;
	v7 =	vld [tilespmem:s15+$0xFFFFFFE0]  }
0xbc: {  	v8 =	vld [tilespmem:s16+$0xFFFFFFE0]  }
0xbd: {  	_ =	sdelay $0x3  }
0xbe: {  	v7 =	vadd.f32 v8, v7;
	_ =	sdelay $0x1  }
0xbf: {  	vm0 =	vgt.f32 v7, v6  }
0xc0: {  	vm1 =	veq.f32 v7, v6;
	v40 =	vsel vm0, $0x1, v5  }
0xc1: {  	v7 =	vsel vm1, $0x1, v5;
	(xrf0) =	vadd.scan.msk.s32 $0xffff, v40  }
0xc2: {  	s17 =	spop (v2sf);
	(xrf0) =	vadd.scan.msk.s32 $0xffff, v7  }
0xc3: {  	s17 =	sadd.s32 s19, s17;
	s25 =	spop (v2sf)  }
0xc4: {  	s18 =	sadd.s32 s18, s25;
	v7 =	vmov s17  }
0xc5: {  	v41 =	vmov s18;
	v7 =	vadd.s32 $0xFFFFFFFF, v7  }
0xc6: {  	v8 =	vadd.s32 $0xFFFFFFFF, v41;
	v7 =	vbroadcast v7, $0x0  }
0xc7: {  	v8 =	vbroadcast v8, $0x0;
	v9, _, _ =	vpop (xrf0)  }
0xc8: {  	v7 =	vadd.s32 v9, v7;
	v10, _, _ =	vpop (xrf0)  }
0xc9: {  	v8 =	vadd.s32 v10, v8  }
0xca: {  	s14 =	sadd.s32 $0x40, s14  }
0xcb: {  	v42 =	vadd.s32 s14, v2;
	(v2sf) =	vpush v9, $0xF  }
0xcc: {  	v9 =	vadd.s32 v1, v42;
	(v2sf) =	vpush v10, $0xF  }
0xcd: {  	[tilespmem:v7+s11+$0x0] =	vst.idx.msk vm0, v9  }
0xce: {  	[tilespmem:v8+s12+$0x0] =	vst.idx.msk vm1, v9  }
0xcf: {  	v7 =	vld [tilespmem:s15+$0xFFFFFFF0]  }
0xd0: {  	v8 =	vld [tilespmem:s16+$0xFFFFFFF0];
	_ =	sdelay $0x4  }
0xd1: {  	v7 =	vadd.f32 v8, v7;
	_ =	sdelay $0x1  }
0xd2: {  	vm6 =	vgt.f32 v7, v6  }
0xd3: {  	vm7 =	veq.f32 v7, v6;
	v7 =	vsel vm6, $0x1, v5  }
0xd4: {  	v43 =	vsel vm7, $0x1, v5;
	(xrf0) =	vadd.scan.msk.s32 $0xffff, v7  }
0xd5: {  	s26 =	spop (v2sf);
	(xrf0) =	vadd.scan.msk.s32 $0xffff, v43  }
0xd6: {  	s17 =	sadd.s32 s17, s26;
	s28 =	spop (v2sf)  }
0xd7: {  	s18 =	sadd.s32 s18, s28;
	v7 =	vmov s17  }
0xd8: {  	v7 =	vadd.s32 $0xFFFFFFFF, v7;
	v44 =	vmov s18  }
0xd9: {  	v8 =	vadd.s32 $0xFFFFFFFF, v44;
	v7 =	vbroadcast v7, $0x0  }
0xda: {  	v8 =	vbroadcast v8, $0x0;
	v45, _, _ =	vpop (xrf0)  }
0xdb: {  	v7 =	vadd.s32 v45, v7;
	v46, _, _ =	vpop (xrf0)  }
0xdc: {  	v8 =	vadd.s32 v46, v8  }
0xdd: {  	s29 =	sadd.s32 $0x10, s14  }
0xde: {  	v47 =	vadd.s32 s29, v2;
	(v2sf) =	vpush v45, $0xF  }
0xdf: {  	v9 =	vadd.s32 v1, v47;
	(v2sf) =	vpush v46, $0xF  }
0xe0: {  	[tilespmem:v7+s11+$0x0] =	vst.idx.msk vm6, v9  }
0xe1: {  	[tilespmem:v8+s12+$0x0] =	vst.idx.msk vm7, v9  }
0xe2: {  	v7 =	vld [tilespmem:s15+$0x0]  }
0xe3: {  	v8 =	vld [tilespmem:s16+$0x0];
	_ =	sdelay $0x4  }
0xe4: {  	v7 =	vadd.f32 v8, v7;
	_ =	sdelay $0x1  }
0xe5: {  	vm8 =	vgt.f32 v7, v6  }
0xe6: {  	vm9 =	veq.f32 v7, v6;
	v7 =	vsel vm8, $0x1, v5  }
0xe7: {  	v48 =	vsel vm9, $0x1, v5;
	(xrf0) =	vadd.scan.msk.s32 $0xffff, v7  }
0xe8: {  	s30 =	spop (v2sf);
	(xrf0) =	vadd.scan.msk.s32 $0xffff, v48  }
0xe9: {  	s17 =	sadd.s32 s17, s30;
	s31 =	spop (v2sf)  }
0xea: {  	s18 =	sadd.s32 s18, s31;
	v7 =	vmov s17  }
0xeb: {  	v7 =	vadd.s32 $0xFFFFFFFF, v7;
	v49 =	vmov s18  }
0xec: {  	v8 =	vadd.s32 $0xFFFFFFFF, v49;
	v7 =	vbroadcast v7, $0x0  }
0xed: {  	v8 =	vbroadcast v8, $0x0;
	v50, _, _ =	vpop (xrf0)  }
0xee: {  	v7 =	vadd.s32 v50, v7;
	v51, _, _ =	vpop (xrf0)  }
0xef: {  	v8 =	vadd.s32 v51, v8  }
0xf0: {  	s20 =	sadd.s32 $0x20, s14  }
0xf1: {  	v52 =	vadd.s32 s20, v2;
	(v2sf) =	vpush v50, $0xF  }
0xf2: {  	v9 =	vadd.s32 v1, v52;
	(v2sf) =	vpush v51, $0xF  }
0xf3: {  	[tilespmem:v7+s11+$0x0] =	vst.idx.msk vm8, v9  }
0xf4: {  	[tilespmem:v8+s12+$0x0] =	vst.idx.msk vm9, v9  }
0xf5: {  	v7 =	vld [tilespmem:s15+$0x10]  }
0xf6: {  	v8 =	vld [tilespmem:s16+$0x10];
	_ =	sdelay $0x4  }
0xf7: {  	v7 =	vadd.f32 v8, v7;
	_ =	sdelay $0x1  }
0xf8: {  	vm10 =	vgt.f32 v7, v6  }
0xf9: {  	vm11 =	veq.f32 v7, v6;
	v7 =	vsel vm10, $0x1, v5  }
0xfa: {  	v53 =	vsel vm11, $0x1, v5;
	(xrf0) =	vadd.scan.msk.s32 $0xffff, v7  }
0xfb: {  	s21 =	spop (v2sf);
	(xrf0) =	vadd.scan.msk.s32 $0xffff, v53  }
0xfc: {  	s15 =	sadd.s32 s17, s21;
	s22 =	spop (v2sf)  }
0xfd: {  	s16 =	sadd.s32 s18, s22;
	v7 =	vmov s15  }
0xfe: {  	v7 =	vadd.s32 $0xFFFFFFFF, v7;
	v54 =	vmov s16  }
0xff: {  	v8 =	vadd.s32 $0xFFFFFFFF, v54;
	v7 =	vbroadcast v7, $0x0  }
0x100: {  	v8 =	vbroadcast v8, $0x0;
	v55, _, _ =	vpop (xrf0)  }
0x101: {  	v7 =	vadd.s32 v55, v7;
	v56, _, _ =	vpop (xrf0)  }
0x102: {  	v8 =	vadd.s32 v56, v8  }
0x103: {  	s14 =	sadd.s32 $0x30, s14  }
0x104: {  	v57 =	vadd.s32 s14, v2;
	(v2sf) =	vpush v55, $0xF  }
0x105: {  	v9 =	vadd.s32 v1, v57;
	(v2sf) =	vpush v56, $0xF  }
0x106: {  	[tilespmem:v7+s11+$0x0] =	vst.idx.msk vm10, v9  }
0x107: {  	[tilespmem:v8+s12+$0x0] =	vst.idx.msk vm11, v9  }
0x108: {  	v7 =	vld [tilespmem:$0x4E00]  }
0x109: {  	v8 =	vld [tilespmem:$0x9C80];
	_ =	sdelay $0x4  }
0x10a: {  	v7 =	vadd.f32 v8, v7;
	_ =	sdelay $0x1  }
0x10b: {  	vm12 =	vgt.f32 v7, v6  }
0x10c: {  	vm13 =	veq.f32 v7, v6;
	v58 =	vsel vm12, $0x1, v5  }
0x10d: {  	v7 =	vsel vm13, $0x1, v5;
	(xrf0) =	vadd.scan.msk.s32 $0xffff, v58  }
0x10e: {  	s23 =	spop (v2sf);
	(xrf0) =	vadd.scan.msk.s32 $0xffff, v7  }
0x10f: {  	s14 =	sadd.s32 s15, s23;
	s24 =	spop (v2sf)  }
0x110: {  	s15 =	sadd.s32 s16, s24;
	v7 =	vmov s14  }
0x111: {  	v7 =	vadd.s32 $0xFFFFFFFF, v7;
	v59 =	vmov s15  }
0x112: {  	v7 =	vbroadcast v7, $0x0;
	v8 =	vadd.s32 $0xFFFFFFFF, v59  }
0x113: {  	v8 =	vbroadcast v8, $0x0;
	v60, _, _ =	vpop (xrf0)  }
0x114: {  	v7 =	vadd.s32 v60, v7;
	v61, _, _ =	vpop (xrf0)  }
0x115: {  	v8 =	vadd.s32 v61, v8;
	_ =	sdelay $0x3  }
0x116: {  	[tilespmem:v7+s11+$0x0] =	vst.idx.msk vm12, v3  }
0x117: {  	[tilespmem:v8+s12+$0x0] =	vst.idx.msk vm13, v3  }
0x118: {  	v7 =	vld [tilespmem:$0x4E10]  }
0x119: {  	v8 =	vld [tilespmem:$0x9C90];
	_ =	sdelay $0x4  }
0x11a: {  	v7 =	vadd.f32 v8, v7;
	_ =	sdelay $0x1  }
0x11b: {  	vm14 =	vgt.f32 v7, v6  }
0x11c: {  	v62 =	vsel vm14, $0x1, v5  }
0x11d: {  	(xrf0) =	vadd.scan.msk.s32 $0xffff, v62;
	_ =	sdelay $0x4  }
0x11e: {  	(v2sf) =	vpush v60, $0xF  }
0x11f: {  	(v2sf) =	vpush v61, $0xF;
	v8, _, _ =	vpop (xrf0)  }
0x120: {  	(v2sf) =	vpush v8, $0xF;
	_ =	sdelay $0xc  }
0x121: {  	s25 =	spop (v2sf)  }
0x122: {  	s26 =	spop (v2sf)  }
0x123: {  	vm15 =	veq.f32 v7, v6;
	s14 =	sadd.s32 s14, s25;
	s28 =	spop (v2sf)  }
0x124: {  	v6 =	vsel vm15, $0x1, v5;
	s17 =	sadd.s32 s15, s26;
	s15 =	sadd.s32 s14, s28  }
0x125: {  	s16 =	simm.s32 $0x1;
	(xrf0) =	vadd.scan.msk.s32 $0xffff, v6;
	v6 =	vmov s14;
	s14 =	ssub.s32 $0x3F7, s15;
	p0 =	sne.s32 s15, $0x3F7  }
0x126: {  	s29 =	sshra.s32 s14, $0x1F;
	s16 =	simm.s32 @!p0 $0x0  }
0x127: {  	s30 =	sand.u32 $0xF, s14;
	s16 =	sor.u32 s16, s29  }
0x128: {  	p1 =	sne.s32 s30, $0x0;
	p6 =	sne.s32 s16, $0x1  }
0x129: {  	v7 =	vmov s17;
	v6 =	vadd.s32 $0xFFFFFFFF, v6;
	s31 =	sshrl.u32 s29, $0x1C;
	p0 =	por !p1, !p6  }
0x12a: {  	v7 =	vadd.s32 $0xFFFFFFFF, v7;
	v6 =	vbroadcast v6, $0x0;
	s14 =	sadd.s32 s31, s14;
	s16 =	simm.s32 $0x1;
	p0 =	por !p0, !p0  }
0x12b: {  	v7 =	vbroadcast v7, $0x0;
	s14 =	sshra.s32 s14, $0x4;
	s16 =	simm.s32 @!p0 $0x0  }
0x12c: {  	v6 =	vadd.s32 v8, v6;
	v63, _, _ =	vpop (xrf0);
	s16 =	ssub.s32 s14, s16  }
0x12d: {  	v7 =	vadd.s32 v63, v7;
	p0 =	slt.s32 s16, $0x1  }
.Ltmp4:
0x12e: {  	_ = 	snop;
	(pc) =	sbr.rel @p0 .LBB2_10-.Ltmp4, $3  }
0x12f: {  	_ =	sdelay $0x1  }
0x130: {  	[tilespmem:v6+s11+$0x0] =	vst.idx.msk vm14, v4  }
0x131: {  	[tilespmem:v7+s12+$0x0] =	vst.idx.msk vm15, v4  }
0x132: {  	p1 =	sne.s32 s16, $0x1  }
.Ltmp5:
0x133: {  	_ = 	snop;
	(pc) =	sbr.rel @!p1 .LBB2_6-.Ltmp5, $3  }
0x134: {  	_ =	sdelay $0x1  }
0x135: {  	s14 =	simm.s32 $0x0  }
0x136: {  	v6 =	vadd.s32 s15, v1;
	s15 =	sadd.s32 $0xFFFFFFFF, s16;
	p0 =	por $0x0, $0x0;
	v7 =	vor.u32 s14, v1  }
0x137: {  	p1 =	sne.s32 s15, $0x1  }
.Ltmp6:
0x138: {  	_ = 	snop;
	(pc) =	sbr.rel @!p1 .LBB2_9-.Ltmp6, $3  }
0x139: {  	_ =	sdelay $0x1  }
0x13a: {  	v9 =	vadd.s32 s14, v6;
	v8 =	vld.idx.msk [tilespmem:v7+s12+$0x0], $0xffff;
	s14 =	simm.s32 $0x10  }
0x13b: {  	s15 =	sadd.s32 $0xFFFFFFFF, s15;
	p0 =	por $0x1, $0x1;
	v7 =	vor.u32 s14, v1  }
.LBB2_8:
0x13c: {  	p1 =	sne.s32 s15, $0x1;
	_ =	sdelay $0x1  }
.Ltmp7:
0x13d: {  	(pc) =	sbr.rel @p1 .LBB2_8-.Ltmp7, $4  }
0x13e: {  	[tilespmem:v9+s11+$0x0] =	vst.idx.msk $0xffff, v8  }
0x13f: {  	v8 =	vld.idx.msk [tilespmem:v7+s12+$0x0], $0xffff  }
0x140: {  	v9 =	vadd.s32 s14, v6;
	s14 =	sadd.s32 $0x10, s14  }
0x141: {  	s15 =	sadd.s32 $0xFFFFFFFF, s15;
	v7 =	vor.u32 s14, v1  }
.Ltmp8:
0x142: {  	_ = 	snop;
	(pc) =	sbr.rel .LBB2_9-.Ltmp8, $1  }
0x143: {  	_ =	sdelay $0x3  }
.LBB2_11:
0x144: {  	_ =	sfence.sel $0x180000  }
0x145: {  	[bflag:$0x0] =	sbarrier.arrive $0xFFFF  }
0x146: {  	p0 =	sne.s32 s1, $0x0;
	_ =	strace $0x90000047  }
0x147: {  	s0 =	sadd.s32 @!p0 $0x100000, s0;
	[bflag:$0x2] =	sbarrier.arrive $0xFFFF  }
0x148: {  	[sflag:s0] =	ssyncadd.tile.s32 @!p0 $0x1;
	_ =	shalt  }
.Lfunc_end2:
_tile_overlayer_lowered:
.L_overlay_start_2:
0x149: {  	(tag) =	ssettag $0x2  }
0x14a: {  	s0 =	rddreg [dreg:$0x0];
	s2 =	stileid.u32  }
0x14b: {  	s1 =	rddreg [dreg:$0x1];
	p0 =	sne.s32 s2, $0x0  }
0x14c: {  	s3 =	rddreg [dreg:$0x2];
	[bflag:$0x3] =	sbarrier.arrive $0xFFFF;
	s2 =	simm.s32 @!p0 $0x1C01  }
0x14d: {  	[timem:s3], [sflag:s2] =	dma.local @!p0 [hbm:s0], s1  }
0x14e: {  	s0 =	simm.s32 @!p0 $0x1  }
0x14f: {  	_ =	swait.ge @!p0 [sflag:s0], s1  }
0x150: {  	s1 =	ssub.s32 @!p0 $0x0, s1;
	[sflag:s0] =	ssyncset.done @!p0 $0x0  }
0x151: {  	[sflag:s0] =	ssyncadd.s32 @!p0 s1  }
0x152: {  	[bflag:$0x3] =	sbarrier.arrive $0xFFFF  }
0x153: {  	_ =	shalt  }

</sc_bundles>
